<compile_context>
chip_gen: v7x
topology: tpu7x:2x2x1
jax: 0.10.2.dev20260603
libtpu: 0.0.44.dev20260713+nightly
codegen_flags: <defaults>
</compile_context>

<pallas_src>
import jax
import jax.numpy as jnp
from jax import lax
from jax.experimental import pallas as pl
from jax.experimental.pallas import tpu as pltpu
from jax.experimental.pallas import tpu_sc as plsc

TOTAL_NODES = 131072
H = 128
B = 1024

NC = 2
NS = 16
NW = NC * NS
ROWS_PER_TILE = TOTAL_NODES // NW
SCHUNK = 128
LCHUNK = 128
SPL = LCHUNK // SCHUNK
NLOAD = ROWS_PER_TILE // LCHUNK
NBUF = 6
NRING = (NLOAD // NBUF) * NBUF
NIDX = ROWS_PER_TILE // SCHUNK
BALL_PER_TILE = B // NW
ACC_PER_TILE = B // NS


def _sc_body(nodes, bidx, bptr, part_out, cnt_out, ball_out,
             idx_v, rows_v, ones_v, bptr_v, ball_v, acc_v, cntr_v,
             acc_sh, cnt_sh, semg, semz, seml, sems):
  c = lax.axis_index("c")
  s = lax.axis_index("s")
  wid = c * NS + s
  row0 = wid * ROWS_PER_TILE

  def load(j, b, sem):
    return pltpu.async_copy(
        nodes.at[pl.ds(row0 + j * LCHUNK, LCHUNK)], rows_v.at[b], sem)

  pltpu.sync_copy(bptr.at[pl.ds(wid * BALL_PER_TILE, BALL_PER_TILE)], bptr_v)
  ball_d = pltpu.async_copy(nodes.at[bptr_v], ball_v, semg)
  for b in range(NBUF):
    load(b, b, seml.at[b])
  pltpu.sync_copy(bidx.at[wid], idx_v)

  zv = jnp.zeros((16,), jnp.float32)

  @pl.loop(0, ACC_PER_TILE)
  def _(i):
    for k in range(H // 16):
      acc_v[i, pl.ds(k * 16, 16)] = zv

  for k in range(ACC_PER_TILE // 16):
    cntr_v[pl.ds(k * 16, 16)] = zv
  z0 = pltpu.async_copy(
      acc_v, acc_sh.at[pl.ds(s * ACC_PER_TILE, ACC_PER_TILE)], semz)
  z1 = pltpu.async_copy(
      cntr_v, cnt_sh.at[pl.ds(s * ACC_PER_TILE, ACC_PER_TILE)], semz)
  z0.wait()
  z1.wait()

  for k in range(SCHUNK // 16):
    ones_v[pl.ds(k * 16, 16)] = jnp.ones((16,), jnp.float32)

  plsc.subcore_barrier()

  def fire_scatters(j, b, sem):
    return [
        pltpu.async_copy(rows_v.at[b], acc_sh.at[idx_v.at[j]], sem, add=True),
        pltpu.async_copy(ones_v, cnt_sh.at[idx_v.at[j]], sem, add=True),
    ]

  @pl.loop(0, NRING, step=NBUF)
  def _(j):
    ds = []
    for b in range(NBUF):
      pltpu.make_async_copy(
          nodes.at[pl.ds(row0, LCHUNK)], rows_v.at[b], seml.at[b]).wait()
      ds.append(fire_scatters(j + b, b, sems.at[b]))
    for b in range(NBUF):
      for d in ds[b]:
        d.wait()

      @pl.when(j + NBUF + b < NLOAD)
      def _():
        load(j + NBUF + b, b, seml.at[b])

  ds = []
  for b in range(NLOAD - NRING):
    pltpu.make_async_copy(
        nodes.at[pl.ds(row0, LCHUNK)], rows_v.at[b], seml.at[b]).wait()
    ds.extend(fire_scatters(NRING + b, b, sems.at[b]))
  for d in ds:
    d.wait()

  ball_d.wait()
  pltpu.sync_copy(ball_v, ball_out.at[pl.ds(wid * BALL_PER_TILE, BALL_PER_TILE)])

  plsc.subcore_barrier()

  r0 = pltpu.async_copy(
      acc_sh.at[pl.ds(s * ACC_PER_TILE, ACC_PER_TILE)], acc_v, semz)
  r1 = pltpu.async_copy(
      cnt_sh.at[pl.ds(s * ACC_PER_TILE, ACC_PER_TILE)], cntr_v, semz)
  r0.wait()
  r1.wait()
  r2 = pltpu.async_copy(
      acc_v, part_out.at[c, pl.ds(s * ACC_PER_TILE, ACC_PER_TILE)], semz)
  r3 = pltpu.async_copy(
      cntr_v, cnt_out.at[c, pl.ds(s * ACC_PER_TILE, ACC_PER_TILE)], semz)
  r2.wait()
  r3.wait()


def _sc_aggregate(nodes, bidx2d, bptr):
  mesh = plsc.VectorSubcoreMesh(core_axis_name="c", subcore_axis_name="s")
  return pl.kernel(
      _sc_body,
      out_type=(
          jax.ShapeDtypeStruct((NC, B, H), jnp.float32),
          jax.ShapeDtypeStruct((NC, B), jnp.float32),
          jax.ShapeDtypeStruct((B, H), jnp.float32),
      ),
      mesh=mesh,
      scratch_types=[
          pltpu.VMEM((NIDX, SCHUNK), jnp.int32),
          pltpu.VMEM((NBUF, LCHUNK, H), jnp.float32),
          pltpu.VMEM((SCHUNK,), jnp.float32),
          pltpu.VMEM((BALL_PER_TILE,), jnp.int32),
          pltpu.VMEM((BALL_PER_TILE, H), jnp.float32),
          pltpu.VMEM((ACC_PER_TILE, H), jnp.float32),
          pltpu.VMEM((ACC_PER_TILE,), jnp.float32),
          pltpu.VMEM_SHARED((B, H), jnp.float32),
          pltpu.VMEM_SHARED((B,), jnp.float32),
          pltpu.SemaphoreType.DMA,
          pltpu.SemaphoreType.DMA,
          pltpu.SemaphoreType.DMA((NBUF,)),
          pltpu.SemaphoreType.DMA((NBUF,)),
      ],
  )(nodes, bidx2d, bptr)


def _tc_head(part_ref, cnt_ref, ball_ref, g_ref,
             bb_ref, w1_ref, b1_ref, w2_ref, b2_ref, out_ref):
  part = part_ref[...]
  seg = part[0] + part[1]
  cnt = cnt_ref[...]
  c8 = (cnt[0] + cnt[1]).reshape(B // H, H)
  r8 = 1.0 / jnp.maximum(c8, 1.0)
  seg3 = seg.reshape(B // H, H, H)
  ge = (seg3 * r8[:, :, None]).reshape(B, H)
  f = jnp.concatenate([ball_ref[...], ge], axis=1)
  mu = jnp.mean(f, axis=1, keepdims=True)
  d = f - mu
  var = jnp.mean(d * d, axis=1, keepdims=True)
  h = d * lax.rsqrt(var + 1e-5) * g_ref[...] + bb_ref[...]
  h = jnp.maximum(
      jnp.dot(h, w1_ref[...], preferred_element_type=jnp.float32)
      + b1_ref[...], 0.0)
  out_ref[...] = (
      jnp.dot(h, w2_ref[...], preferred_element_type=jnp.float32)
      + b2_ref[...])


def _tc_finish(part, cnt2t, ball, ln_g, ln_b, W1, b1, W2, b2):
  return pl.pallas_call(
      _tc_head,
      out_shape=jax.ShapeDtypeStruct((B, H), jnp.float32),
  )(part, cnt2t, ball, ln_g, ln_b, W1, b1, W2, b2)


@jax.jit
def _impl(node_emb, batch_ptr, batch_index, ln_g, ln_b, W1, b1, W2, b2):
  bidx = batch_index.astype(jnp.int32)
  bidx2d = bidx.reshape(NW, NIDX, SCHUNK)
  bptr = batch_ptr[:-1].astype(jnp.int32)
  part, cnt2, ball = _sc_aggregate(node_emb, bidx2d, bptr)
  return _tc_finish(part, cnt2, ball,
                    ln_g.reshape(1, 2 * H), ln_b.reshape(1, 2 * H),
                    W1, b1.reshape(1, H), W2, b2.reshape(1, H))


def kernel(node_emb, batch_ptr, batch_index, ln_g, ln_b, W1, b1, W2, b2):
  return _impl(node_emb, batch_ptr, batch_index, ln_g, ln_b, W1, b1, W2, b2)

# --- scband reference (transcript-rebuilt; emitter-appended) ---
"""Pipeline reference for scband-frame-aggregator-10582799417746 (READ-ONLY COPY).

The authoritative reference and input builder live on the scoring server;
editing this copy changes nothing except your own understanding.
"""

import jax, jax.numpy as jnp
import numpy as np

TOTAL_NODES = 131072
H = 128
B = 1024

def setup_inputs(seed: int = 0) -> dict:
    key = jax.random.key(seed)
    ks = jax.random.split(key, 6)
    node_emb = jax.random.normal(ks[0], (TOTAL_NODES, H), dtype=jnp.float32)
    batch_ptr = jnp.sort(jax.random.randint(ks[1], (B + 1,), 0, TOTAL_NODES)).astype(jnp.int64)
    batch_index = jnp.sort(jax.random.randint(ks[2], (TOTAL_NODES,), 0, B)).astype(jnp.int64)
    ln_g = jnp.ones((2 * H,), dtype=jnp.float32)
    ln_b = jnp.zeros((2 * H,), dtype=jnp.float32)
    W1 = jax.random.normal(ks[3], (2 * H, H), dtype=jnp.float32) * (1.0 / np.sqrt(2 * H))
    b1 = jnp.zeros((H,), dtype=jnp.float32)
    W2 = jax.random.normal(ks[4], (H, H), dtype=jnp.float32) * (1.0 / np.sqrt(H))
    b2 = jnp.zeros((H,), dtype=jnp.float32)
    return {"node_emb": node_emb, "batch_ptr": batch_ptr, "batch_index": batch_index,
            "ln_g": ln_g, "ln_b": ln_b, "W1": W1, "b1": b1, "W2": W2, "b2": b2}


def reference(node_emb, batch_ptr, batch_index, ln_g, ln_b, W1, b1, W2, b2):
    nseg = batch_ptr.shape[0] - 1  # static = B
    # ball embedding: first node of each graph (the loop over batch_ptr in torch)
    ball_emb = jnp.take(node_emb, batch_ptr[:-1], axis=0)  # (B, H)
    # global_mean_pool: segment mean over batch_index
    seg_sum = jax.ops.segment_sum(node_emb, batch_index, num_segments=nseg)  # (B, H)
    cnt = jax.ops.segment_sum(jnp.ones((node_emb.shape[0],), dtype=node_emb.dtype),
                              batch_index, num_segments=nseg)
    global_emb = seg_sum / jnp.maximum(cnt, 1.0)[:, None]
    f_in = jnp.concatenate([ball_emb, global_emb], axis=-1)  # (B, 2H)
    # LayerNorm(2H)
    mu = jnp.mean(f_in, axis=-1, keepdims=True)
    var = jnp.var(f_in, axis=-1, keepdims=True)
    h = (f_in - mu) / jnp.sqrt(var + 1e-5) * ln_g + ln_b
    # Linear -> ReLU -> Dropout(eval: identity) -> Linear
    h = jnp.maximum(h @ W1 + b1, 0.0)
    out = h @ W2 + b2
    return out

if __name__ == "__main__":
    import jax
    _d = setup_inputs()
    print(jax.jit(kernel)(*tuple(_d.values())))

</pallas_src>

<mosaic_0001>
#map = affine_map<(d0, d1) -> (0, 0)>
#map1 = affine_map<(d0, d1) -> (0, 0, 0)>
#map2 = affine_map<(d0, d1) -> (0)>
module attributes {stable_mosaic.version = 14 : i64} {
  func.func @_sc_body(%arg0: i32, %arg1: i32, %arg2: memref<131072x128xf32, #tpu.memory_space<hbm>>, %arg3: memref<32x32x128xi32, #tpu.memory_space<hbm>>, %arg4: memref<1024xi32, #tpu.memory_space<hbm>>, %arg5: memref<2x1024x128xf32, #tpu.memory_space<hbm>>, %arg6: memref<2x1024xf32, #tpu.memory_space<hbm>>, %arg7: memref<1024x128xf32, #tpu.memory_space<hbm>>, %arg8: memref<32x128xi32, #tpu.memory_space<vmem>>, %arg9: memref<6x128x128xf32, #tpu.memory_space<vmem>>, %arg10: memref<128xf32, #tpu.memory_space<vmem>>, %arg11: memref<32xi32, #tpu.memory_space<vmem>>, %arg12: memref<32x128xf32, #tpu.memory_space<vmem>>, %arg13: memref<64x128xf32, #tpu.memory_space<vmem>>, %arg14: memref<64xf32, #tpu.memory_space<vmem>>, %arg15: memref<1024x128xf32, #tpu.memory_space<vmem_shared>>, %arg16: memref<1024xf32, #tpu.memory_space<vmem_shared>>, %arg17: memref<!tpu.dma_semaphore, #tpu.memory_space<semaphore_mem>>, %arg18: memref<!tpu.dma_semaphore, #tpu.memory_space<semaphore_mem>>, %arg19: memref<6x!tpu.dma_semaphore, #tpu.memory_space<semaphore_mem>>, %arg20: memref<6x!tpu.dma_semaphore, #tpu.memory_space<semaphore_mem>>) attributes {dimension_semantics = [#tpu.dimension_semantics<core_parallel>, #tpu.dimension_semantics<subcore_parallel>], iteration_bounds = array<i64: 2, 16>, scalar_prefetch = 0 : i64, scratch_operands = 13 : i64, tpu.core_type = #tpu.core_type<sc_vector_subcore>, window_params = [{transform_indices = #map}, {transform_indices = #map1}, {transform_indices = #map2}, {transform_indices = #map1}, {transform_indices = #map}, {transform_indices = #map}]} {
    %mul3A = arith.constant 16 : i32
    %mul3A_0 = arith.muli %arg0, %mul3A : i32
    %add3A = arith.addi %mul3A_0, %arg1 : i32
    %mul3A_1 = arith.constant 4096 : i32
    %mul3A_2 = arith.muli %add3A, %mul3A_1 : i32
    %mul3A_3 = arith.constant 32 : i32
    %mul3A_4 = arith.muli %add3A, %mul3A_3 : i32
    "tpu.region"() ({
      %run_scoped3A = tpu.sem_alloc : memref<!tpu.dma_semaphore, #tpu.memory_space<semaphore_mem>>
      %dma_start3A_377 = tpu.memref_slice %arg4[%mul3A_4] : memref<1024xi32, #tpu.memory_space<hbm>> -> memref<32xi32, #tpu.memory_space<hbm>>
      %dma_start3A_378 = tpu.memref_slice %arg4[%mul3A_4] : memref<1024xi32, #tpu.memory_space<hbm>> -> memref<32xi32, #tpu.memory_space<hbm>>
      tpu.enqueue_dma source(%dma_start3A_378 : memref<32xi32, #tpu.memory_space<hbm>>) target(%arg11 : memref<32xi32, #tpu.memory_space<vmem>>) target_semaphore(%run_scoped3A : memref<!tpu.dma_semaphore, #tpu.memory_space<semaphore_mem>>)
      %dma_wait3A_379 = tpu.memref_slice %arg4[%mul3A_4] : memref<1024xi32, #tpu.memory_space<hbm>> -> memref<32xi32, #tpu.memory_space<hbm>>
      %dma_wait3A_380 = tpu.memref_slice %arg4[%mul3A_4] : memref<1024xi32, #tpu.memory_space<hbm>> -> memref<32xi32, #tpu.memory_space<hbm>>
      tpu.wait_dma2 semaphore(%run_scoped3A : memref<!tpu.dma_semaphore, #tpu.memory_space<semaphore_mem>>) src(%dma_wait3A_380 : memref<32xi32, #tpu.memory_space<hbm>>) dst(%arg11 : memref<32xi32, #tpu.memory_space<vmem>>)
      tpu.yield
    }) : () -> ()
    %dma_start3A = arith.constant 0 : i32
    %dma_start3A_5 = arith.constant 0 : i32
    %dma_start3A_6 = tpu.memref_slice %arg2[%dma_start3A, %dma_start3A_5] : memref<131072x128xf32, #tpu.memory_space<hbm>> -> memref<131072x128xf32, #tpu.memory_space<hbm>>
    tpu.enqueue_indirect_dma source(%dma_start3A_6 : memref<131072x128xf32, #tpu.memory_space<hbm>>) target(%arg12 : memref<32x128xf32, #tpu.memory_space<vmem>>) offsets(%arg11 : memref<32xi32, #tpu.memory_space<vmem>>) semaphore(%arg17 : memref<!tpu.dma_semaphore, #tpu.memory_space<semaphore_mem>>)
    %add3A_7 = arith.constant 0 : i32
    %add3A_8 = arith.addi %mul3A_2, %add3A_7 : i32
    %dma_start3A_9 = arith.constant 0 : i32
    %dma_start3A_10 = arith.constant 0 : i32
    %dma_start3A_11 = arith.constant 0 : i32
    %dma_start3A_12 = arith.constant 0 : i32
    %dma_start3A_13 = tpu.memref_slice %arg9[%dma_start3A_9, %dma_start3A_11, %dma_start3A_12] : memref<6x128x128xf32, #tpu.memory_space<vmem>> -> memref<1x128x128xf32, #tpu.memory_space<vmem>>
    %dma_start3A_14 = tpu.memref_squeeze %dma_start3A_13 : memref<1x128x128xf32, #tpu.memory_space<vmem>> -> memref<128x128xf32, #tpu.memory_space<vmem>>
    %dma_start3A_15 = arith.constant 0 : i32
    %dma_start3A_16 = tpu.memref_slice %arg2[%add3A_8, %dma_start3A_15] : memref<131072x128xf32, #tpu.memory_space<hbm>> -> memref<128x128xf32, #tpu.memory_space<hbm>>
    %dma_start3A_17 = tpu.memref_slice %arg19[%dma_start3A_10] : memref<6x!tpu.dma_semaphore, #tpu.memory_space<semaphore_mem>> -> memref<1x!tpu.dma_semaphore, #tpu.memory_space<semaphore_mem>>
    %dma_start3A_18 = tpu.memref_squeeze %dma_start3A_17 : memref<1x!tpu.dma_semaphore, #tpu.memory_space<semaphore_mem>> -> memref<!tpu.dma_semaphore, #tpu.memory_space<semaphore_mem>>
    %dma_start3A_19 = arith.constant 0 : i32
    %dma_start3A_20 = arith.constant 0 : i32
    %dma_start3A_21 = tpu.memref_slice %arg9[%dma_start3A_9, %dma_start3A_19, %dma_start3A_20] : memref<6x128x128xf32, #tpu.memory_space<vmem>> -> memref<1x128x128xf32, #tpu.memory_space<vmem>>
    %dma_start3A_22 = tpu.memref_squeeze %dma_start3A_21 : memref<1x128x128xf32, #tpu.memory_space<vmem>> -> memref<128x128xf32, #tpu.memory_space<vmem>>
    %dma_start3A_23 = arith.constant 0 : i32
    %dma_start3A_24 = tpu.memref_slice %arg2[%add3A_8, %dma_start3A_23] : memref<131072x128xf32, #tpu.memory_space<hbm>> -> memref<128x128xf32, #tpu.memory_space<hbm>>
    tpu.enqueue_dma source(%dma_start3A_24 : memref<128x128xf32, #tpu.memory_space<hbm>>) target(%dma_start3A_22 : memref<128x128xf32, #tpu.memory_space<vmem>>) target_semaphore(%dma_start3A_18 : memref<!tpu.dma_semaphore, #tpu.memory_space<semaphore_mem>>)
    %add3A_25 = arith.constant 128 : i32
    %add3A_26 = arith.addi %mul3A_2, %add3A_25 : i32
    %dma_start3A_27 = arith.constant 1 : i32
    %dma_start3A_28 = arith.constant 1 : i32
    %dma_start3A_29 = arith.constant 0 : i32
    %dma_start3A_30 = arith.constant 0 : i32
    %dma_start3A_31 = tpu.memref_slice %arg9[%dma_start3A_27, %dma_start3A_29, %dma_start3A_30] : memref<6x128x128xf32, #tpu.memory_space<vmem>> -> memref<1x128x128xf32, #tpu.memory_space<vmem>>
    %dma_start3A_32 = tpu.memref_squeeze %dma_start3A_31 : memref<1x128x128xf32, #tpu.memory_space<vmem>> -> memref<128x128xf32, #tpu.memory_space<vmem>>
    %dma_start3A_33 = arith.constant 0 : i32
    %dma_start3A_34 = tpu.memref_slice %arg2[%add3A_26, %dma_start3A_33] : memref<131072x128xf32, #tpu.memory_space<hbm>> -> memref<128x128xf32, #tpu.memory_space<hbm>>
    %dma_start3A_35 = tpu.memref_slice %arg19[%dma_start3A_28] : memref<6x!tpu.dma_semaphore, #tpu.memory_space<semaphore_mem>> -> memref<1x!tpu.dma_semaphore, #tpu.memory_space<semaphore_mem>>
    %dma_start3A_36 = tpu.memref_squeeze %dma_start3A_35 : memref<1x!tpu.dma_semaphore, #tpu.memory_space<semaphore_mem>> -> memref<!tpu.dma_semaphore, #tpu.memory_space<semaphore_mem>>
    %dma_start3A_37 = arith.constant 0 : i32
    %dma_start3A_38 = arith.constant 0 : i32
    %dma_start3A_39 = tpu.memref_slice %arg9[%dma_start3A_27, %dma_start3A_37, %dma_start3A_38] : memref<6x128x128xf32, #tpu.memory_space<vmem>> -> memref<1x128x128xf32, #tpu.memory_space<vmem>>
    %dma_start3A_40 = tpu.memref_squeeze %dma_start3A_39 : memref<1x128x128xf32, #tpu.memory_space<vmem>> -> memref<128x128xf32, #tpu.memory_space<vmem>>
    %dma_start3A_41 = arith.constant 0 : i32
    %dma_start3A_42 = tpu.memref_slice %arg2[%add3A_26, %dma_start3A_41] : memref<131072x128xf32, #tpu.memory_space<hbm>> -> memref<128x128xf32, #tpu.memory_space<hbm>>
    tpu.enqueue_dma source(%dma_start3A_42 : memref<128x128xf32, #tpu.memory_space<hbm>>) target(%dma_start3A_40 : memref<128x128xf32, #tpu.memory_space<vmem>>) target_semaphore(%dma_start3A_36 : memref<!tpu.dma_semaphore, #tpu.memory_space<semaphore_mem>>)
    %add3A_43 = arith.constant 256 : i32
    %add3A_44 = arith.addi %mul3A_2, %add3A_43 : i32
    %dma_start3A_45 = arith.constant 2 : i32
    %dma_start3A_46 = arith.constant 2 : i32
    %dma_start3A_47 = arith.constant 0 : i32
    %dma_start3A_48 = arith.constant 0 : i32
    %dma_start3A_49 = tpu.memref_slice %arg9[%dma_start3A_45, %dma_start3A_47, %dma_start3A_48] : memref<6x128x128xf32, #tpu.memory_space<vmem>> -> memref<1x128x128xf32, #tpu.memory_space<vmem>>
    %dma_start3A_50 = tpu.memref_squeeze %dma_start3A_49 : memref<1x128x128xf32, #tpu.memory_space<vmem>> -> memref<128x128xf32, #tpu.memory_space<vmem>>
    %dma_start3A_51 = arith.constant 0 : i32
    %dma_start3A_52 = tpu.memref_slice %arg2[%add3A_44, %dma_start3A_51] : memref<131072x128xf32, #tpu.memory_space<hbm>> -> memref<128x128xf32, #tpu.memory_space<hbm>>
    %dma_start3A_53 = tpu.memref_slice %arg19[%dma_start3A_46] : memref<6x!tpu.dma_semaphore, #tpu.memory_space<semaphore_mem>> -> memref<1x!tpu.dma_semaphore, #tpu.memory_space<semaphore_mem>>
    %dma_start3A_54 = tpu.memref_squeeze %dma_start3A_53 : memref<1x!tpu.dma_semaphore, #tpu.memory_space<semaphore_mem>> -> memref<!tpu.dma_semaphore, #tpu.memory_space<semaphore_mem>>
    %dma_start3A_55 = arith.constant 0 : i32
    %dma_start3A_56 = arith.constant 0 : i32
    %dma_start3A_57 = tpu.memref_slice %arg9[%dma_start3A_45, %dma_start3A_55, %dma_start3A_56] : memref<6x128x128xf32, #tpu.memory_space<vmem>> -> memref<1x128x128xf32, #tpu.memory_space<vmem>>
    %dma_start3A_58 = tpu.memref_squeeze %dma_start3A_57 : memref<1x128x128xf32, #tpu.memory_space<vmem>> -> memref<128x128xf32, #tpu.memory_space<vmem>>
    %dma_start3A_59 = arith.constant 0 : i32
    %dma_start3A_60 = tpu.memref_slice %arg2[%add3A_44, %dma_start3A_59] : memref<131072x128xf32, #tpu.memory_space<hbm>> -> memref<128x128xf32, #tpu.memory_space<hbm>>
    tpu.enqueue_dma source(%dma_start3A_60 : memref<128x128xf32, #tpu.memory_space<hbm>>) target(%dma_start3A_58 : memref<128x128xf32, #tpu.memory_space<vmem>>) target_semaphore(%dma_start3A_54 : memref<!tpu.dma_semaphore, #tpu.memory_space<semaphore_mem>>)
    %add3A_61 = arith.constant 384 : i32
    %add3A_62 = arith.addi %mul3A_2, %add3A_61 : i32
    %dma_start3A_63 = arith.constant 3 : i32
    %dma_start3A_64 = arith.constant 3 : i32
    %dma_start3A_65 = arith.constant 0 : i32
    %dma_start3A_66 = arith.constant 0 : i32
    %dma_start3A_67 = tpu.memref_slice %arg9[%dma_start3A_63, %dma_start3A_65, %dma_start3A_66] : memref<6x128x128xf32, #tpu.memory_space<vmem>> -> memref<1x128x128xf32, #tpu.memory_space<vmem>>
    %dma_start3A_68 = tpu.memref_squeeze %dma_start3A_67 : memref<1x128x128xf32, #tpu.memory_space<vmem>> -> memref<128x128xf32, #tpu.memory_space<vmem>>
    %dma_start3A_69 = arith.constant 0 : i32
    %dma_start3A_70 = tpu.memref_slice %arg2[%add3A_62, %dma_start3A_69] : memref<131072x128xf32, #tpu.memory_space<hbm>> -> memref<128x128xf32, #tpu.memory_space<hbm>>
    %dma_start3A_71 = tpu.memref_slice %arg19[%dma_start3A_64] : memref<6x!tpu.dma_semaphore, #tpu.memory_space<semaphore_mem>> -> memref<1x!tpu.dma_semaphore, #tpu.memory_space<semaphore_mem>>
    %dma_start3A_72 = tpu.memref_squeeze %dma_start3A_71 : memref<1x!tpu.dma_semaphore, #tpu.memory_space<semaphore_mem>> -> memref<!tpu.dma_semaphore, #tpu.memory_space<semaphore_mem>>
    %dma_start3A_73 = arith.constant 0 : i32
    %dma_start3A_74 = arith.constant 0 : i32
    %dma_start3A_75 = tpu.memref_slice %arg9[%dma_start3A_63, %dma_start3A_73, %dma_start3A_74] : memref<6x128x128xf32, #tpu.memory_space<vmem>> -> memref<1x128x128xf32, #tpu.memory_space<vmem>>
    %dma_start3A_76 = tpu.memref_squeeze %dma_start3A_75 : memref<1x128x128xf32, #tpu.memory_space<vmem>> -> memref<128x128xf32, #tpu.memory_space<vmem>>
    %dma_start3A_77 = arith.constant 0 : i32
    %dma_start3A_78 = tpu.memref_slice %arg2[%add3A_62, %dma_start3A_77] : memref<131072x128xf32, #tpu.memory_space<hbm>> -> memref<128x128xf32, #tpu.memory_space<hbm>>
    tpu.enqueue_dma source(%dma_start3A_78 : memref<128x128xf32, #tpu.memory_space<hbm>>) target(%dma_start3A_76 : memref<128x128xf32, #tpu.memory_space<vmem>>) target_semaphore(%dma_start3A_72 : memref<!tpu.dma_semaphore, #tpu.memory_space<semaphore_mem>>)
    %add3A_79 = arith.constant 512 : i32
    %add3A_80 = arith.addi %mul3A_2, %add3A_79 : i32
    %dma_start3A_81 = arith.constant 4 : i32
    %dma_start3A_82 = arith.constant 4 : i32
    %dma_start3A_83 = arith.constant 0 : i32
    %dma_start3A_84 = arith.constant 0 : i32
    %dma_start3A_85 = tpu.memref_slice %arg9[%dma_start3A_81, %dma_start3A_83, %dma_start3A_84] : memref<6x128x128xf32, #tpu.memory_space<vmem>> -> memref<1x128x128xf32, #tpu.memory_space<vmem>>
    %dma_start3A_86 = tpu.memref_squeeze %dma_start3A_85 : memref<1x128x128xf32, #tpu.memory_space<vmem>> -> memref<128x128xf32, #tpu.memory_space<vmem>>
    %dma_start3A_87 = arith.constant 0 : i32
    %dma_start3A_88 = tpu.memref_slice %arg2[%add3A_80, %dma_start3A_87] : memref<131072x128xf32, #tpu.memory_space<hbm>> -> memref<128x128xf32, #tpu.memory_space<hbm>>
    %dma_start3A_89 = tpu.memref_slice %arg19[%dma_start3A_82] : memref<6x!tpu.dma_semaphore, #tpu.memory_space<semaphore_mem>> -> memref<1x!tpu.dma_semaphore, #tpu.memory_space<semaphore_mem>>
    %dma_start3A_90 = tpu.memref_squeeze %dma_start3A_89 : memref<1x!tpu.dma_semaphore, #tpu.memory_space<semaphore_mem>> -> memref<!tpu.dma_semaphore, #tpu.memory_space<semaphore_mem>>
    %dma_start3A_91 = arith.constant 0 : i32
    %dma_start3A_92 = arith.constant 0 : i32
    %dma_start3A_93 = tpu.memref_slice %arg9[%dma_start3A_81, %dma_start3A_91, %dma_start3A_92] : memref<6x128x128xf32, #tpu.memory_space<vmem>> -> memref<1x128x128xf32, #tpu.memory_space<vmem>>
    %dma_start3A_94 = tpu.memref_squeeze %dma_start3A_93 : memref<1x128x128xf32, #tpu.memory_space<vmem>> -> memref<128x128xf32, #tpu.memory_space<vmem>>
    %dma_start3A_95 = arith.constant 0 : i32
    %dma_start3A_96 = tpu.memref_slice %arg2[%add3A_80, %dma_start3A_95] : memref<131072x128xf32, #tpu.memory_space<hbm>> -> memref<128x128xf32, #tpu.memory_space<hbm>>
    tpu.enqueue_dma source(%dma_start3A_96 : memref<128x128xf32, #tpu.memory_space<hbm>>) target(%dma_start3A_94 : memref<128x128xf32, #tpu.memory_space<vmem>>) target_semaphore(%dma_start3A_90 : memref<!tpu.dma_semaphore, #tpu.memory_space<semaphore_mem>>)
    %add3A_97 = arith.constant 640 : i32
    %add3A_98 = arith.addi %mul3A_2, %add3A_97 : i32
    %dma_start3A_99 = arith.constant 5 : i32
    %dma_start3A_100 = arith.constant 5 : i32
    %dma_start3A_101 = arith.constant 0 : i32
    %dma_start3A_102 = arith.constant 0 : i32
    %dma_start3A_103 = tpu.memref_slice %arg9[%dma_start3A_99, %dma_start3A_101, %dma_start3A_102] : memref<6x128x128xf32, #tpu.memory_space<vmem>> -> memref<1x128x128xf32, #tpu.memory_space<vmem>>
    %dma_start3A_104 = tpu.memref_squeeze %dma_start3A_103 : memref<1x128x128xf32, #tpu.memory_space<vmem>> -> memref<128x128xf32, #tpu.memory_space<vmem>>
    %dma_start3A_105 = arith.constant 0 : i32
    %dma_start3A_106 = tpu.memref_slice %arg2[%add3A_98, %dma_start3A_105] : memref<131072x128xf32, #tpu.memory_space<hbm>> -> memref<128x128xf32, #tpu.memory_space<hbm>>
    %dma_start3A_107 = tpu.memref_slice %arg19[%dma_start3A_100] : memref<6x!tpu.dma_semaphore, #tpu.memory_space<semaphore_mem>> -> memref<1x!tpu.dma_semaphore, #tpu.memory_space<semaphore_mem>>
    %dma_start3A_108 = tpu.memref_squeeze %dma_start3A_107 : memref<1x!tpu.dma_semaphore, #tpu.memory_space<semaphore_mem>> -> memref<!tpu.dma_semaphore, #tpu.memory_space<semaphore_mem>>
    %dma_start3A_109 = arith.constant 0 : i32
    %dma_start3A_110 = arith.constant 0 : i32
    %dma_start3A_111 = tpu.memref_slice %arg9[%dma_start3A_99, %dma_start3A_109, %dma_start3A_110] : memref<6x128x128xf32, #tpu.memory_space<vmem>> -> memref<1x128x128xf32, #tpu.memory_space<vmem>>
    %dma_start3A_112 = tpu.memref_squeeze %dma_start3A_111 : memref<1x128x128xf32, #tpu.memory_space<vmem>> -> memref<128x128xf32, #tpu.memory_space<vmem>>
    %dma_start3A_113 = arith.constant 0 : i32
    %dma_start3A_114 = tpu.memref_slice %arg2[%add3A_98, %dma_start3A_113] : memref<131072x128xf32, #tpu.memory_space<hbm>> -> memref<128x128xf32, #tpu.memory_space<hbm>>
    tpu.enqueue_dma source(%dma_start3A_114 : memref<128x128xf32, #tpu.memory_space<hbm>>) target(%dma_start3A_112 : memref<128x128xf32, #tpu.memory_space<vmem>>) target_semaphore(%dma_start3A_108 : memref<!tpu.dma_semaphore, #tpu.memory_space<semaphore_mem>>)
    "tpu.region"() ({
      %run_scoped3A = tpu.sem_alloc : memref<!tpu.dma_semaphore, #tpu.memory_space<semaphore_mem>>
      %dma_start3A_377 = arith.constant 0 : i32
      %dma_start3A_378 = arith.constant 0 : i32
      %dma_start3A_379 = tpu.memref_slice %arg3[%add3A, %dma_start3A_377, %dma_start3A_378] : memref<32x32x128xi32, #tpu.memory_space<hbm>> -> memref<1x32x128xi32, #tpu.memory_space<hbm>>
      %dma_start3A_380 = tpu.memref_squeeze %dma_start3A_379 : memref<1x32x128xi32, #tpu.memory_space<hbm>> -> memref<32x128xi32, #tpu.memory_space<hbm>>
      %dma_start3A_381 = arith.constant 0 : i32
      %dma_start3A_382 = arith.constant 0 : i32
      %dma_start3A_383 = tpu.memref_slice %arg3[%add3A, %dma_start3A_381, %dma_start3A_382] : memref<32x32x128xi32, #tpu.memory_space<hbm>> -> memref<1x32x128xi32, #tpu.memory_space<hbm>>
      %dma_start3A_384 = tpu.memref_squeeze %dma_start3A_383 : memref<1x32x128xi32, #tpu.memory_space<hbm>> -> memref<32x128xi32, #tpu.memory_space<hbm>>
      tpu.enqueue_dma source(%dma_start3A_384 : memref<32x128xi32, #tpu.memory_space<hbm>>) target(%arg8 : memref<32x128xi32, #tpu.memory_space<vmem>>) target_semaphore(%run_scoped3A : memref<!tpu.dma_semaphore, #tpu.memory_space<semaphore_mem>>)
      %dma_wait3A_385 = arith.constant 0 : i32
      %dma_wait3A_386 = arith.constant 0 : i32
      %dma_wait3A_387 = tpu.memref_slice %arg3[%add3A, %dma_wait3A_385, %dma_wait3A_386] : memref<32x32x128xi32, #tpu.memory_space<hbm>> -> memref<1x32x128xi32, #tpu.memory_space<hbm>>
      %dma_wait3A_388 = tpu.memref_squeeze %dma_wait3A_387 : memref<1x32x128xi32, #tpu.memory_space<hbm>> -> memref<32x128xi32, #tpu.memory_space<hbm>>
      %dma_wait3A_389 = arith.constant 0 : i32
      %dma_wait3A_390 = arith.constant 0 : i32
      %dma_wait3A_391 = tpu.memref_slice %arg3[%add3A, %dma_wait3A_389, %dma_wait3A_390] : memref<32x32x128xi32, #tpu.memory_space<hbm>> -> memref<1x32x128xi32, #tpu.memory_space<hbm>>
      %dma_wait3A_392 = tpu.memref_squeeze %dma_wait3A_391 : memref<1x32x128xi32, #tpu.memory_space<hbm>> -> memref<32x128xi32, #tpu.memory_space<hbm>>
      tpu.wait_dma2 semaphore(%run_scoped3A : memref<!tpu.dma_semaphore, #tpu.memory_space<semaphore_mem>>) src(%dma_wait3A_392 : memref<32x128xi32, #tpu.memory_space<hbm>>) dst(%arg8 : memref<32x128xi32, #tpu.memory_space<vmem>>)
      tpu.yield
    }) : () -> ()
    %broadcast_in_dim3A = arith.constant 0.000000e+00 : f32
    %broadcast_in_dim3A_115 = vector.broadcast %broadcast_in_dim3A : f32 to vector<16xf32>
    %scan3A = arith.constant 0 : i32
    %scan3A_116 = arith.constant 64 : i32
    %scan3A_117 = arith.addi %scan3A, %scan3A_116 : i32
    %scan3A_118 = arith.constant 1 : i32
    scf.for %scan3A_377 = %scan3A to %scan3A_117 step %scan3A_118  : i32 {
      %mul3A_378 = arith.constant 1 : i32
      %mul3A_379 = arith.muli %scan3A_377, %mul3A_378 : i32
      %add3A_380 = arith.constant 0 : i32
      %add3A_381 = arith.addi %add3A_380, %mul3A_379 : i32
      %swap3A_382 = arith.index_cast %add3A_381 : i32 to index
      %swap3A_383 = arith.constant 0 : index
      %swap3A_384 = tpu.vector_load %arg13[%swap3A_382, %swap3A_383] {strides = array<i32>} : memref<64x128xf32, #tpu.memory_space<vmem>>, vector<1x16xf32>,
      %swap3A_385 = vector.shape_cast %swap3A_384 : vector<1x16xf32> to vector<16xf32>
      %swap3A_386 = vector.shape_cast %broadcast_in_dim3A_115 : vector<16xf32> to vector<1x16xf32>
      tpu.vector_store %arg13[%swap3A_382, %swap3A_383], %swap3A_386 {strides = array<i32>} : memref<64x128xf32, #tpu.memory_space<vmem>>, vector<1x16xf32>,
      %swap3A_387 = arith.index_cast %add3A_381 : i32 to index
      %swap3A_388 = arith.constant 16 : index
      %swap3A_389 = tpu.vector_load %arg13[%swap3A_387, %swap3A_388] {strides = array<i32>} : memref<64x128xf32, #tpu.memory_space<vmem>>, vector<1x16xf32>,
      %swap3A_390 = vector.shape_cast %swap3A_389 : vector<1x16xf32> to vector<16xf32>
      %swap3A_391 = vector.shape_cast %broadcast_in_dim3A_115 : vector<16xf32> to vector<1x16xf32>
      tpu.vector_store %arg13[%swap3A_387, %swap3A_388], %swap3A_391 {strides = array<i32>} : memref<64x128xf32, #tpu.memory_space<vmem>>, vector<1x16xf32>,
      %swap3A_392 = arith.index_cast %add3A_381 : i32 to index
      %swap3A_393 = arith.constant 32 : index
      %swap3A_394 = tpu.vector_load %arg13[%swap3A_392, %swap3A_393] {strides = array<i32>} : memref<64x128xf32, #tpu.memory_space<vmem>>, vector<1x16xf32>,
      %swap3A_395 = vector.shape_cast %swap3A_394 : vector<1x16xf32> to vector<16xf32>
      %swap3A_396 = vector.shape_cast %broadcast_in_dim3A_115 : vector<16xf32> to vector<1x16xf32>
      tpu.vector_store %arg13[%swap3A_392, %swap3A_393], %swap3A_396 {strides = array<i32>} : memref<64x128xf32, #tpu.memory_space<vmem>>, vector<1x16xf32>,
      %swap3A_397 = arith.index_cast %add3A_381 : i32 to index
      %swap3A_398 = arith.constant 48 : index
      %swap3A_399 = tpu.vector_load %arg13[%swap3A_397, %swap3A_398] {strides = array<i32>} : memref<64x128xf32, #tpu.memory_space<vmem>>, vector<1x16xf32>,
      %swap3A_400 = vector.shape_cast %swap3A_399 : vector<1x16xf32> to vector<16xf32>
      %swap3A_401 = vector.shape_cast %broadcast_in_dim3A_115 : vector<16xf32> to vector<1x16xf32>
      tpu.vector_store %arg13[%swap3A_397, %swap3A_398], %swap3A_401 {strides = array<i32>} : memref<64x128xf32, #tpu.memory_space<vmem>>, vector<1x16xf32>,
      %swap3A_402 = arith.index_cast %add3A_381 : i32 to index
      %swap3A_403 = arith.constant 64 : index
      %swap3A_404 = tpu.vector_load %arg13[%swap3A_402, %swap3A_403] {strides = array<i32>} : memref<64x128xf32, #tpu.memory_space<vmem>>, vector<1x16xf32>,
      %swap3A_405 = vector.shape_cast %swap3A_404 : vector<1x16xf32> to vector<16xf32>
      %swap3A_406 = vector.shape_cast %broadcast_in_dim3A_115 : vector<16xf32> to vector<1x16xf32>
      tpu.vector_store %arg13[%swap3A_402, %swap3A_403], %swap3A_406 {strides = array<i32>} : memref<64x128xf32, #tpu.memory_space<vmem>>, vector<1x16xf32>,
      %swap3A_407 = arith.index_cast %add3A_381 : i32 to index
      %swap3A_408 = arith.constant 80 : index
      %swap3A_409 = tpu.vector_load %arg13[%swap3A_407, %swap3A_408] {strides = array<i32>} : memref<64x128xf32, #tpu.memory_space<vmem>>, vector<1x16xf32>,
      %swap3A_410 = vector.shape_cast %swap3A_409 : vector<1x16xf32> to vector<16xf32>
      %swap3A_411 = vector.shape_cast %broadcast_in_dim3A_115 : vector<16xf32> to vector<1x16xf32>
      tpu.vector_store %arg13[%swap3A_407, %swap3A_408], %swap3A_411 {strides = array<i32>} : memref<64x128xf32, #tpu.memory_space<vmem>>, vector<1x16xf32>,
      %swap3A_412 = arith.index_cast %add3A_381 : i32 to index
      %swap3A_413 = arith.constant 96 : index
      %swap3A_414 = tpu.vector_load %arg13[%swap3A_412, %swap3A_413] {strides = array<i32>} : memref<64x128xf32, #tpu.memory_space<vmem>>, vector<1x16xf32>,
      %swap3A_415 = vector.shape_cast %swap3A_414 : vector<1x16xf32> to vector<16xf32>
      %swap3A_416 = vector.shape_cast %broadcast_in_dim3A_115 : vector<16xf32> to vector<1x16xf32>
      tpu.vector_store %arg13[%swap3A_412, %swap3A_413], %swap3A_416 {strides = array<i32>} : memref<64x128xf32, #tpu.memory_space<vmem>>, vector<1x16xf32>,
      %swap3A_417 = arith.index_cast %add3A_381 : i32 to index
      %swap3A_418 = arith.constant 112 : index
      %swap3A_419 = tpu.vector_load %arg13[%swap3A_417, %swap3A_418] {strides = array<i32>} : memref<64x128xf32, #tpu.memory_space<vmem>>, vector<1x16xf32>,
      %swap3A_420 = vector.shape_cast %swap3A_419 : vector<1x16xf32> to vector<16xf32>
      %swap3A_421 = vector.shape_cast %broadcast_in_dim3A_115 : vector<16xf32> to vector<1x16xf32>
      tpu.vector_store %arg13[%swap3A_417, %swap3A_418], %swap3A_421 {strides = array<i32>} : memref<64x128xf32, #tpu.memory_space<vmem>>, vector<1x16xf32>,
    }
    %scan3A_119 = arith.constant 64 : i32
    %swap3A = arith.constant 0 : index
    %swap3A_120 = tpu.vector_load %arg14[%swap3A] {strides = array<i32>} : memref<64xf32, #tpu.memory_space<vmem>>, vector<16xf32>,
    %swap3A_121 = vector.shape_cast %swap3A_120 : vector<16xf32> to vector<16xf32>
    %swap3A_122 = vector.shape_cast %broadcast_in_dim3A_115 : vector<16xf32> to vector<16xf32>
    tpu.vector_store %arg14[%swap3A], %swap3A_122 {strides = array<i32>} : memref<64xf32, #tpu.memory_space<vmem>>, vector<16xf32>,
    %swap3A_123 = arith.constant 16 : index
    %swap3A_124 = tpu.vector_load %arg14[%swap3A_123] {strides = array<i32>} : memref<64xf32, #tpu.memory_space<vmem>>, vector<16xf32>,
    %swap3A_125 = vector.shape_cast %swap3A_124 : vector<16xf32> to vector<16xf32>
    %swap3A_126 = vector.shape_cast %broadcast_in_dim3A_115 : vector<16xf32> to vector<16xf32>
    tpu.vector_store %arg14[%swap3A_123], %swap3A_126 {strides = array<i32>} : memref<64xf32, #tpu.memory_space<vmem>>, vector<16xf32>,
    %swap3A_127 = arith.constant 32 : index
    %swap3A_128 = tpu.vector_load %arg14[%swap3A_127] {strides = array<i32>} : memref<64xf32, #tpu.memory_space<vmem>>, vector<16xf32>,
    %swap3A_129 = vector.shape_cast %swap3A_128 : vector<16xf32> to vector<16xf32>
    %swap3A_130 = vector.shape_cast %broadcast_in_dim3A_115 : vector<16xf32> to vector<16xf32>
    tpu.vector_store %arg14[%swap3A_127], %swap3A_130 {strides = array<i32>} : memref<64xf32, #tpu.memory_space<vmem>>, vector<16xf32>,
    %swap3A_131 = arith.constant 48 : index
    %swap3A_132 = tpu.vector_load %arg14[%swap3A_131] {strides = array<i32>} : memref<64xf32, #tpu.memory_space<vmem>>, vector<16xf32>,
    %swap3A_133 = vector.shape_cast %swap3A_132 : vector<16xf32> to vector<16xf32>
    %swap3A_134 = vector.shape_cast %broadcast_in_dim3A_115 : vector<16xf32> to vector<16xf32>
    tpu.vector_store %arg14[%swap3A_131], %swap3A_134 {strides = array<i32>} : memref<64xf32, #tpu.memory_space<vmem>>, vector<16xf32>,
    %mul3A_135 = arith.constant 64 : i32
    %mul3A_136 = arith.muli %arg1, %mul3A_135 : i32
    %dma_start3A_137 = arith.constant 0 : i32
    %dma_start3A_138 = tpu.memref_slice %arg15[%mul3A_136, %dma_start3A_137] : memref<1024x128xf32, #tpu.memory_space<vmem_shared>> -> memref<64x128xf32, #tpu.memory_space<vmem_shared>>
    %dma_start3A_139 = arith.constant 0 : i32
    %dma_start3A_140 = tpu.memref_slice %arg15[%mul3A_136, %dma_start3A_139] : memref<1024x128xf32, #tpu.memory_space<vmem_shared>> -> memref<64x128xf32, #tpu.memory_space<vmem_shared>>
    tpu.enqueue_dma source(%arg13 : memref<64x128xf32, #tpu.memory_space<vmem>>) target(%dma_start3A_140 : memref<64x128xf32, #tpu.memory_space<vmem_shared>>) target_semaphore(%arg18 : memref<!tpu.dma_semaphore, #tpu.memory_space<semaphore_mem>>)
    %mul3A_141 = arith.constant 64 : i32
    %mul3A_142 = arith.muli %arg1, %mul3A_141 : i32
    %dma_start3A_143 = tpu.memref_slice %arg16[%mul3A_142] : memref<1024xf32, #tpu.memory_space<vmem_shared>> -> memref<64xf32, #tpu.memory_space<vmem_shared>>
    %dma_start3A_144 = tpu.memref_slice %arg16[%mul3A_142] : memref<1024xf32, #tpu.memory_space<vmem_shared>> -> memref<64xf32, #tpu.memory_space<vmem_shared>>
    tpu.enqueue_dma source(%arg14 : memref<64xf32, #tpu.memory_space<vmem>>) target(%dma_start3A_144 : memref<64xf32, #tpu.memory_space<vmem_shared>>) target_semaphore(%arg18 : memref<!tpu.dma_semaphore, #tpu.memory_space<semaphore_mem>>)
    %dma_wait3A = arith.constant 0 : i32
    %dma_wait3A_145 = tpu.memref_slice %arg15[%mul3A_136, %dma_wait3A] : memref<1024x128xf32, #tpu.memory_space<vmem_shared>> -> memref<64x128xf32, #tpu.memory_space<vmem_shared>>
    %dma_wait3A_146 = arith.constant 0 : i32
    %dma_wait3A_147 = tpu.memref_slice %arg15[%mul3A_136, %dma_wait3A_146] : memref<1024x128xf32, #tpu.memory_space<vmem_shared>> -> memref<64x128xf32, #tpu.memory_space<vmem_shared>>
    tpu.wait_dma2 semaphore(%arg18 : memref<!tpu.dma_semaphore, #tpu.memory_space<semaphore_mem>>) src(%arg13 : memref<64x128xf32, #tpu.memory_space<vmem>>) dst(%dma_wait3A_147 : memref<64x128xf32, #tpu.memory_space<vmem_shared>>)
    %dma_wait3A_148 = tpu.memref_slice %arg16[%mul3A_142] : memref<1024xf32, #tpu.memory_space<vmem_shared>> -> memref<64xf32, #tpu.memory_space<vmem_shared>>
    %dma_wait3A_149 = tpu.memref_slice %arg16[%mul3A_142] : memref<1024xf32, #tpu.memory_space<vmem_shared>> -> memref<64xf32, #tpu.memory_space<vmem_shared>>
    tpu.wait_dma2 semaphore(%arg18 : memref<!tpu.dma_semaphore, #tpu.memory_space<semaphore_mem>>) src(%arg14 : memref<64xf32, #tpu.memory_space<vmem>>) dst(%dma_wait3A_149 : memref<64xf32, #tpu.memory_space<vmem_shared>>)
    %broadcast_in_dim3A_150 = arith.constant 1.000000e+00 : f32
    %broadcast_in_dim3A_151 = vector.broadcast %broadcast_in_dim3A_150 : f32 to vector<16xf32>
    %swap3A_152 = arith.constant 0 : index
    %swap3A_153 = tpu.vector_load %arg10[%swap3A_152] {strides = array<i32>} : memref<128xf32, #tpu.memory_space<vmem>>, vector<16xf32>,
    %swap3A_154 = vector.shape_cast %swap3A_153 : vector<16xf32> to vector<16xf32>
    %swap3A_155 = vector.shape_cast %broadcast_in_dim3A_151 : vector<16xf32> to vector<16xf32>
    tpu.vector_store %arg10[%swap3A_152], %swap3A_155 {strides = array<i32>} : memref<128xf32, #tpu.memory_space<vmem>>, vector<16xf32>,
    %broadcast_in_dim3A_156 = arith.constant 1.000000e+00 : f32
    %broadcast_in_dim3A_157 = vector.broadcast %broadcast_in_dim3A_156 : f32 to vector<16xf32>
    %swap3A_158 = arith.constant 16 : index
    %swap3A_159 = tpu.vector_load %arg10[%swap3A_158] {strides = array<i32>} : memref<128xf32, #tpu.memory_space<vmem>>, vector<16xf32>,
    %swap3A_160 = vector.shape_cast %swap3A_159 : vector<16xf32> to vector<16xf32>
    %swap3A_161 = vector.shape_cast %broadcast_in_dim3A_157 : vector<16xf32> to vector<16xf32>
    tpu.vector_store %arg10[%swap3A_158], %swap3A_161 {strides = array<i32>} : memref<128xf32, #tpu.memory_space<vmem>>, vector<16xf32>,
    %broadcast_in_dim3A_162 = arith.constant 1.000000e+00 : f32
    %broadcast_in_dim3A_163 = vector.broadcast %broadcast_in_dim3A_162 : f32 to vector<16xf32>
    %swap3A_164 = arith.constant 32 : index
    %swap3A_165 = tpu.vector_load %arg10[%swap3A_164] {strides = array<i32>} : memref<128xf32, #tpu.memory_space<vmem>>, vector<16xf32>,
    %swap3A_166 = vector.shape_cast %swap3A_165 : vector<16xf32> to vector<16xf32>
    %swap3A_167 = vector.shape_cast %broadcast_in_dim3A_163 : vector<16xf32> to vector<16xf32>
    tpu.vector_store %arg10[%swap3A_164], %swap3A_167 {strides = array<i32>} : memref<128xf32, #tpu.memory_space<vmem>>, vector<16xf32>,
    %broadcast_in_dim3A_168 = arith.constant 1.000000e+00 : f32
    %broadcast_in_dim3A_169 = vector.broadcast %broadcast_in_dim3A_168 : f32 to vector<16xf32>
    %swap3A_170 = arith.constant 48 : index
    %swap3A_171 = tpu.vector_load %arg10[%swap3A_170] {strides = array<i32>} : memref<128xf32, #tpu.memory_space<vmem>>, vector<16xf32>,
    %swap3A_172 = vector.shape_cast %swap3A_171 : vector<16xf32> to vector<16xf32>
    %swap3A_173 = vector.shape_cast %broadcast_in_dim3A_169 : vector<16xf32> to vector<16xf32>
    tpu.vector_store %arg10[%swap3A_170], %swap3A_173 {strides = array<i32>} : memref<128xf32, #tpu.memory_space<vmem>>, vector<16xf32>,
    %broadcast_in_dim3A_174 = arith.constant 1.000000e+00 : f32
    %broadcast_in_dim3A_175 = vector.broadcast %broadcast_in_dim3A_174 : f32 to vector<16xf32>
    %swap3A_176 = arith.constant 64 : index
    %swap3A_177 = tpu.vector_load %arg10[%swap3A_176] {strides = array<i32>} : memref<128xf32, #tpu.memory_space<vmem>>, vector<16xf32>,
    %swap3A_178 = vector.shape_cast %swap3A_177 : vector<16xf32> to vector<16xf32>
    %swap3A_179 = vector.shape_cast %broadcast_in_dim3A_175 : vector<16xf32> to vector<16xf32>
    tpu.vector_store %arg10[%swap3A_176], %swap3A_179 {strides = array<i32>} : memref<128xf32, #tpu.memory_space<vmem>>, vector<16xf32>,
    %broadcast_in_dim3A_180 = arith.constant 1.000000e+00 : f32
    %broadcast_in_dim3A_181 = vector.broadcast %broadcast_in_dim3A_180 : f32 to vector<16xf32>
    %swap3A_182 = arith.constant 80 : index
    %swap3A_183 = tpu.vector_load %arg10[%swap3A_182] {strides = array<i32>} : memref<128xf32, #tpu.memory_space<vmem>>, vector<16xf32>,
    %swap3A_184 = vector.shape_cast %swap3A_183 : vector<16xf32> to vector<16xf32>
    %swap3A_185 = vector.shape_cast %broadcast_in_dim3A_181 : vector<16xf32> to vector<16xf32>
    tpu.vector_store %arg10[%swap3A_182], %swap3A_185 {strides = array<i32>} : memref<128xf32, #tpu.memory_space<vmem>>, vector<16xf32>,
    %broadcast_in_dim3A_186 = arith.constant 1.000000e+00 : f32
    %broadcast_in_dim3A_187 = vector.broadcast %broadcast_in_dim3A_186 : f32 to vector<16xf32>
    %swap3A_188 = arith.constant 96 : index
    %swap3A_189 = tpu.vector_load %arg10[%swap3A_188] {strides = array<i32>} : memref<128xf32, #tpu.memory_space<vmem>>, vector<16xf32>,
    %swap3A_190 = vector.shape_cast %swap3A_189 : vector<16xf32> to vector<16xf32>
    %swap3A_191 = vector.shape_cast %broadcast_in_dim3A_187 : vector<16xf32> to vector<16xf32>
    tpu.vector_store %arg10[%swap3A_188], %swap3A_191 {strides = array<i32>} : memref<128xf32, #tpu.memory_space<vmem>>, vector<16xf32>,
    %broadcast_in_dim3A_192 = arith.constant 1.000000e+00 : f32
    %broadcast_in_dim3A_193 = vector.broadcast %broadcast_in_dim3A_192 : f32 to vector<16xf32>
    %swap3A_194 = arith.constant 112 : index
    %swap3A_195 = tpu.vector_load %arg10[%swap3A_194] {strides = array<i32>} : memref<128xf32, #tpu.memory_space<vmem>>, vector<16xf32>,
    %swap3A_196 = vector.shape_cast %swap3A_195 : vector<16xf32> to vector<16xf32>
    %swap3A_197 = vector.shape_cast %broadcast_in_dim3A_193 : vector<16xf32> to vector<16xf32>
    tpu.vector_store %arg10[%swap3A_194], %swap3A_197 {strides = array<i32>} : memref<128xf32, #tpu.memory_space<vmem>>, vector<16xf32>,
    %barrier3A = arith.constant 0 : index
    tpu.barrier barrier_id(%barrier3A)
    %scan3A_198 = arith.constant 0 : i32
    %scan3A_199 = arith.constant 5 : i32
    %scan3A_200 = arith.addi %scan3A_198, %scan3A_199 : i32
    %scan3A_201 = arith.constant 1 : i32
    scf.for %scan3A_377 = %scan3A_198 to %scan3A_200 step %scan3A_201  : i32 {
      %mul3A_378 = arith.constant 6 : i32
      %mul3A_379 = arith.muli %scan3A_377, %mul3A_378 : i32
      %add3A_380 = arith.constant 0 : i32
      %add3A_381 = arith.addi %add3A_380, %mul3A_379 : i32
      %dma_wait3A_382 = arith.constant 0 : i32
      %dma_wait3A_383 = arith.constant 0 : i32
      %dma_wait3A_384 = arith.constant 0 : i32
      %dma_wait3A_385 = arith.constant 0 : i32
      %dma_wait3A_386 = tpu.memref_slice %arg9[%dma_wait3A_382, %dma_wait3A_384, %dma_wait3A_385] : memref<6x128x128xf32, #tpu.memory_space<vmem>> -> memref<1x128x128xf32, #tpu.memory_space<vmem>>
      %dma_wait3A_387 = tpu.memref_squeeze %dma_wait3A_386 : memref<1x128x128xf32, #tpu.memory_space<vmem>> -> memref<128x128xf32, #tpu.memory_space<vmem>>
      %dma_wait3A_388 = arith.constant 0 : i32
      %dma_wait3A_389 = tpu.memref_slice %arg2[%mul3A_2, %dma_wait3A_388] : memref<131072x128xf32, #tpu.memory_space<hbm>> -> memref<128x128xf32, #tpu.memory_space<hbm>>
      %dma_wait3A_390 = tpu.memref_slice %arg19[%dma_wait3A_383] : memref<6x!tpu.dma_semaphore, #tpu.memory_space<semaphore_mem>> -> memref<1x!tpu.dma_semaphore, #tpu.memory_space<semaphore_mem>>
      %dma_wait3A_391 = tpu.memref_squeeze %dma_wait3A_390 : memref<1x!tpu.dma_semaphore, #tpu.memory_space<semaphore_mem>> -> memref<!tpu.dma_semaphore, #tpu.memory_space<semaphore_mem>>
      %dma_wait3A_392 = arith.constant 0 : i32
      %dma_wait3A_393 = arith.constant 0 : i32
      %dma_wait3A_394 = tpu.memref_slice %arg9[%dma_wait3A_382, %dma_wait3A_392, %dma_wait3A_393] : memref<6x128x128xf32, #tpu.memory_space<vmem>> -> memref<1x128x128xf32, #tpu.memory_space<vmem>>
      %dma_wait3A_395 = tpu.memref_squeeze %dma_wait3A_394 : memref<1x128x128xf32, #tpu.memory_space<vmem>> -> memref<128x128xf32, #tpu.memory_space<vmem>>
      %dma_wait3A_396 = arith.constant 0 : i32
      %dma_wait3A_397 = tpu.memref_slice %arg2[%mul3A_2, %dma_wait3A_396] : memref<131072x128xf32, #tpu.memory_space<hbm>> -> memref<128x128xf32, #tpu.memory_space<hbm>>
      tpu.wait_dma2 semaphore(%dma_wait3A_391 : memref<!tpu.dma_semaphore, #tpu.memory_space<semaphore_mem>>) src(%dma_wait3A_397 : memref<128x128xf32, #tpu.memory_space<hbm>>) dst(%dma_wait3A_395 : memref<128x128xf32, #tpu.memory_space<vmem>>)
      %add3A_398 = arith.constant 0 : i32
      %add3A_399 = arith.addi %add3A_381, %add3A_398 : i32
      %dma_start3A_400 = arith.constant 0 : i32
      %dma_start3A_401 = arith.constant 0 : i32
      %dma_start3A_402 = arith.constant 0 : i32
      %dma_start3A_403 = arith.constant 0 : i32
      %dma_start3A_404 = tpu.memref_slice %arg9[%dma_start3A_400, %dma_start3A_402, %dma_start3A_403] : memref<6x128x128xf32, #tpu.memory_space<vmem>> -> memref<1x128x128xf32, #tpu.memory_space<vmem>>
      %dma_start3A_405 = tpu.memref_squeeze %dma_start3A_404 : memref<1x128x128xf32, #tpu.memory_space<vmem>> -> memref<128x128xf32, #tpu.memory_space<vmem>>
      %dma_start3A_406 = arith.constant 0 : i32
      %dma_start3A_407 = tpu.memref_slice %arg8[%add3A_399, %dma_start3A_406] : memref<32x128xi32, #tpu.memory_space<vmem>> -> memref<1x128xi32, #tpu.memory_space<vmem>>
      %dma_start3A_408 = tpu.memref_squeeze %dma_start3A_407 : memref<1x128xi32, #tpu.memory_space<vmem>> -> memref<128xi32, #tpu.memory_space<vmem>>
      %dma_start3A_409 = arith.constant 0 : i32
      %dma_start3A_410 = arith.constant 0 : i32
      %dma_start3A_411 = tpu.memref_slice %arg15[%dma_start3A_409, %dma_start3A_410] : memref<1024x128xf32, #tpu.memory_space<vmem_shared>> -> memref<1024x128xf32, #tpu.memory_space<vmem_shared>>
      %dma_start3A_412 = tpu.memref_slice %arg20[%dma_start3A_401] : memref<6x!tpu.dma_semaphore, #tpu.memory_space<semaphore_mem>> -> memref<1x!tpu.dma_semaphore, #tpu.memory_space<semaphore_mem>>
      %dma_start3A_413 = tpu.memref_squeeze %dma_start3A_412 : memref<1x!tpu.dma_semaphore, #tpu.memory_space<semaphore_mem>> -> memref<!tpu.dma_semaphore, #tpu.memory_space<semaphore_mem>>
      tpu.enqueue_indirect_dma source(%dma_start3A_405 : memref<128x128xf32, #tpu.memory_space<vmem>>) target(%dma_start3A_411 : memref<1024x128xf32, #tpu.memory_space<vmem_shared>>) offsets(%dma_start3A_408 : memref<128xi32, #tpu.memory_space<vmem>>) semaphore(%dma_start3A_413 : memref<!tpu.dma_semaphore, #tpu.memory_space<semaphore_mem>>) {add = true}
      %dma_start3A_414 = arith.constant 0 : i32
      %dma_start3A_415 = arith.constant 0 : i32
      %dma_start3A_416 = tpu.memref_slice %arg8[%add3A_399, %dma_start3A_415] : memref<32x128xi32, #tpu.memory_space<vmem>> -> memref<1x128xi32, #tpu.memory_space<vmem>>
      %dma_start3A_417 = tpu.memref_squeeze %dma_start3A_416 : memref<1x128xi32, #tpu.memory_space<vmem>> -> memref<128xi32, #tpu.memory_space<vmem>>
      %dma_start3A_418 = arith.constant 0 : i32
      %dma_start3A_419 = tpu.memref_slice %arg16[%dma_start3A_418] : memref<1024xf32, #tpu.memory_space<vmem_shared>> -> memref<1024xf32, #tpu.memory_space<vmem_shared>>
      %dma_start3A_420 = tpu.memref_slice %arg20[%dma_start3A_414] : memref<6x!tpu.dma_semaphore, #tpu.memory_space<semaphore_mem>> -> memref<1x!tpu.dma_semaphore, #tpu.memory_space<semaphore_mem>>
      %dma_start3A_421 = tpu.memref_squeeze %dma_start3A_420 : memref<1x!tpu.dma_semaphore, #tpu.memory_space<semaphore_mem>> -> memref<!tpu.dma_semaphore, #tpu.memory_space<semaphore_mem>>
      tpu.enqueue_indirect_dma source(%arg10 : memref<128xf32, #tpu.memory_space<vmem>>) target(%dma_start3A_419 : memref<1024xf32, #tpu.memory_space<vmem_shared>>) offsets(%dma_start3A_417 : memref<128xi32, #tpu.memory_space<vmem>>) semaphore(%dma_start3A_421 : memref<!tpu.dma_semaphore, #tpu.memory_space<semaphore_mem>>) {add = true}
      %dma_wait3A_422 = arith.constant 1 : i32
      %dma_wait3A_423 = arith.constant 1 : i32
      %dma_wait3A_424 = arith.constant 0 : i32
      %dma_wait3A_425 = arith.constant 0 : i32
      %dma_wait3A_426 = tpu.memref_slice %arg9[%dma_wait3A_422, %dma_wait3A_424, %dma_wait3A_425] : memref<6x128x128xf32, #tpu.memory_space<vmem>> -> memref<1x128x128xf32, #tpu.memory_space<vmem>>
      %dma_wait3A_427 = tpu.memref_squeeze %dma_wait3A_426 : memref<1x128x128xf32, #tpu.memory_space<vmem>> -> memref<128x128xf32, #tpu.memory_space<vmem>>
      %dma_wait3A_428 = arith.constant 0 : i32
      %dma_wait3A_429 = tpu.memref_slice %arg2[%mul3A_2, %dma_wait3A_428] : memref<131072x128xf32, #tpu.memory_space<hbm>> -> memref<128x128xf32, #tpu.memory_space<hbm>>
      %dma_wait3A_430 = tpu.memref_slice %arg19[%dma_wait3A_423] : memref<6x!tpu.dma_semaphore, #tpu.memory_space<semaphore_mem>> -> memref<1x!tpu.dma_semaphore, #tpu.memory_space<semaphore_mem>>
      %dma_wait3A_431 = tpu.memref_squeeze %dma_wait3A_430 : memref<1x!tpu.dma_semaphore, #tpu.memory_space<semaphore_mem>> -> memref<!tpu.dma_semaphore, #tpu.memory_space<semaphore_mem>>
      %dma_wait3A_432 = arith.constant 0 : i32
      %dma_wait3A_433 = arith.constant 0 : i32
      %dma_wait3A_434 = tpu.memref_slice %arg9[%dma_wait3A_422, %dma_wait3A_432, %dma_wait3A_433] : memref<6x128x128xf32, #tpu.memory_space<vmem>> -> memref<1x128x128xf32, #tpu.memory_space<vmem>>
      %dma_wait3A_435 = tpu.memref_squeeze %dma_wait3A_434 : memref<1x128x128xf32, #tpu.memory_space<vmem>> -> memref<128x128xf32, #tpu.memory_space<vmem>>
      %dma_wait3A_436 = arith.constant 0 : i32
      %dma_wait3A_437 = tpu.memref_slice %arg2[%mul3A_2, %dma_wait3A_436] : memref<131072x128xf32, #tpu.memory_space<hbm>> -> memref<128x128xf32, #tpu.memory_space<hbm>>
      tpu.wait_dma2 semaphore(%dma_wait3A_431 : memref<!tpu.dma_semaphore, #tpu.memory_space<semaphore_mem>>) src(%dma_wait3A_437 : memref<128x128xf32, #tpu.memory_space<hbm>>) dst(%dma_wait3A_435 : memref<128x128xf32, #tpu.memory_space<vmem>>)
      %add3A_438 = arith.constant 1 : i32
      %add3A_439 = arith.addi %add3A_381, %add3A_438 : i32
      %dma_start3A_440 = arith.constant 1 : i32
      %dma_start3A_441 = arith.constant 1 : i32
      %dma_start3A_442 = arith.constant 0 : i32
      %dma_start3A_443 = arith.constant 0 : i32
      %dma_start3A_444 = tpu.memref_slice %arg9[%dma_start3A_440, %dma_start3A_442, %dma_start3A_443] : memref<6x128x128xf32, #tpu.memory_space<vmem>> -> memref<1x128x128xf32, #tpu.memory_space<vmem>>
      %dma_start3A_445 = tpu.memref_squeeze %dma_start3A_444 : memref<1x128x128xf32, #tpu.memory_space<vmem>> -> memref<128x128xf32, #tpu.memory_space<vmem>>
      %dma_start3A_446 = arith.constant 0 : i32
      %dma_start3A_447 = tpu.memref_slice %arg8[%add3A_439, %dma_start3A_446] : memref<32x128xi32, #tpu.memory_space<vmem>> -> memref<1x128xi32, #tpu.memory_space<vmem>>
      %dma_start3A_448 = tpu.memref_squeeze %dma_start3A_447 : memref<1x128xi32, #tpu.memory_space<vmem>> -> memref<128xi32, #tpu.memory_space<vmem>>
      %dma_start3A_449 = arith.constant 0 : i32
      %dma_start3A_450 = arith.constant 0 : i32
      %dma_start3A_451 = tpu.memref_slice %arg15[%dma_start3A_449, %dma_start3A_450] : memref<1024x128xf32, #tpu.memory_space<vmem_shared>> -> memref<1024x128xf32, #tpu.memory_space<vmem_shared>>
      %dma_start3A_452 = tpu.memref_slice %arg20[%dma_start3A_441] : memref<6x!tpu.dma_semaphore, #tpu.memory_space<semaphore_mem>> -> memref<1x!tpu.dma_semaphore, #tpu.memory_space<semaphore_mem>>
      %dma_start3A_453 = tpu.memref_squeeze %dma_start3A_452 : memref<1x!tpu.dma_semaphore, #tpu.memory_space<semaphore_mem>> -> memref<!tpu.dma_semaphore, #tpu.memory_space<semaphore_mem>>
      tpu.enqueue_indirect_dma source(%dma_start3A_445 : memref<128x128xf32, #tpu.memory_space<vmem>>) target(%dma_start3A_451 : memref<1024x128xf32, #tpu.memory_space<vmem_shared>>) offsets(%dma_start3A_448 : memref<128xi32, #tpu.memory_space<vmem>>) semaphore(%dma_start3A_453 : memref<!tpu.dma_semaphore, #tpu.memory_space<semaphore_mem>>) {add = true}
      %dma_start3A_454 = arith.constant 1 : i32
      %dma_start3A_455 = arith.constant 0 : i32
      %dma_start3A_456 = tpu.memref_slice %arg8[%add3A_439, %dma_start3A_455] : memref<32x128xi32, #tpu.memory_space<vmem>> -> memref<1x128xi32, #tpu.memory_space<vmem>>
      %dma_start3A_457 = tpu.memref_squeeze %dma_start3A_456 : memref<1x128xi32, #tpu.memory_space<vmem>> -> memref<128xi32, #tpu.memory_space<vmem>>
      %dma_start3A_458 = arith.constant 0 : i32
      %dma_start3A_459 = tpu.memref_slice %arg16[%dma_start3A_458] : memref<1024xf32, #tpu.memory_space<vmem_shared>> -> memref<1024xf32, #tpu.memory_space<vmem_shared>>
      %dma_start3A_460 = tpu.memref_slice %arg20[%dma_start3A_454] : memref<6x!tpu.dma_semaphore, #tpu.memory_space<semaphore_mem>> -> memref<1x!tpu.dma_semaphore, #tpu.memory_space<semaphore_mem>>
      %dma_start3A_461 = tpu.memref_squeeze %dma_start3A_460 : memref<1x!tpu.dma_semaphore, #tpu.memory_space<semaphore_mem>> -> memref<!tpu.dma_semaphore, #tpu.memory_space<semaphore_mem>>
      tpu.enqueue_indirect_dma source(%arg10 : memref<128xf32, #tpu.memory_space<vmem>>) target(%dma_start3A_459 : memref<1024xf32, #tpu.memory_space<vmem_shared>>) offsets(%dma_start3A_457 : memref<128xi32, #tpu.memory_space<vmem>>) semaphore(%dma_start3A_461 : memref<!tpu.dma_semaphore, #tpu.memory_space<semaphore_mem>>) {add = true}
      %dma_wait3A_462 = arith.constant 2 : i32
      %dma_wait3A_463 = arith.constant 2 : i32
      %dma_wait3A_464 = arith.constant 0 : i32
      %dma_wait3A_465 = arith.constant 0 : i32
      %dma_wait3A_466 = tpu.memref_slice %arg9[%dma_wait3A_462, %dma_wait3A_464, %dma_wait3A_465] : memref<6x128x128xf32, #tpu.memory_space<vmem>> -> memref<1x128x128xf32, #tpu.memory_space<vmem>>
      %dma_wait3A_467 = tpu.memref_squeeze %dma_wait3A_466 : memref<1x128x128xf32, #tpu.memory_space<vmem>> -> memref<128x128xf32, #tpu.memory_space<vmem>>
      %dma_wait3A_468 = arith.constant 0 : i32
      %dma_wait3A_469 = tpu.memref_slice %arg2[%mul3A_2, %dma_wait3A_468] : memref<131072x128xf32, #tpu.memory_space<hbm>> -> memref<128x128xf32, #tpu.memory_space<hbm>>
      %dma_wait3A_470 = tpu.memref_slice %arg19[%dma_wait3A_463] : memref<6x!tpu.dma_semaphore, #tpu.memory_space<semaphore_mem>> -> memref<1x!tpu.dma_semaphore, #tpu.memory_space<semaphore_mem>>
      %dma_wait3A_471 = tpu.memref_squeeze %dma_wait3A_470 : memref<1x!tpu.dma_semaphore, #tpu.memory_space<semaphore_mem>> -> memref<!tpu.dma_semaphore, #tpu.memory_space<semaphore_mem>>
      %dma_wait3A_472 = arith.constant 0 : i32
      %dma_wait3A_473 = arith.constant 0 : i32
      %dma_wait3A_474 = tpu.memref_slice %arg9[%dma_wait3A_462, %dma_wait3A_472, %dma_wait3A_473] : memref<6x128x128xf32, #tpu.memory_space<vmem>> -> memref<1x128x128xf32, #tpu.memory_space<vmem>>
      %dma_wait3A_475 = tpu.memref_squeeze %dma_wait3A_474 : memref<1x128x128xf32, #tpu.memory_space<vmem>> -> memref<128x128xf32, #tpu.memory_space<vmem>>
      %dma_wait3A_476 = arith.constant 0 : i32
      %dma_wait3A_477 = tpu.memref_slice %arg2[%mul3A_2, %dma_wait3A_476] : memref<131072x128xf32, #tpu.memory_space<hbm>> -> memref<128x128xf32, #tpu.memory_space<hbm>>
      tpu.wait_dma2 semaphore(%dma_wait3A_471 : memref<!tpu.dma_semaphore, #tpu.memory_space<semaphore_mem>>) src(%dma_wait3A_477 : memref<128x128xf32, #tpu.memory_space<hbm>>) dst(%dma_wait3A_475 : memref<128x128xf32, #tpu.memory_space<vmem>>)
      %add3A_478 = arith.constant 2 : i32
      %add3A_479 = arith.addi %add3A_381, %add3A_478 : i32
      %dma_start3A_480 = arith.constant 2 : i32
      %dma_start3A_481 = arith.constant 2 : i32
      %dma_start3A_482 = arith.constant 0 : i32
      %dma_start3A_483 = arith.constant 0 : i32
      %dma_start3A_484 = tpu.memref_slice %arg9[%dma_start3A_480, %dma_start3A_482, %dma_start3A_483] : memref<6x128x128xf32, #tpu.memory_space<vmem>> -> memref<1x128x128xf32, #tpu.memory_space<vmem>>
      %dma_start3A_485 = tpu.memref_squeeze %dma_start3A_484 : memref<1x128x128xf32, #tpu.memory_space<vmem>> -> memref<128x128xf32, #tpu.memory_space<vmem>>
      %dma_start3A_486 = arith.constant 0 : i32
      %dma_start3A_487 = tpu.memref_slice %arg8[%add3A_479, %dma_start3A_486] : memref<32x128xi32, #tpu.memory_space<vmem>> -> memref<1x128xi32, #tpu.memory_space<vmem>>
      %dma_start3A_488 = tpu.memref_squeeze %dma_start3A_487 : memref<1x128xi32, #tpu.memory_space<vmem>> -> memref<128xi32, #tpu.memory_space<vmem>>
      %dma_start3A_489 = arith.constant 0 : i32
      %dma_start3A_490 = arith.constant 0 : i32
      %dma_start3A_491 = tpu.memref_slice %arg15[%dma_start3A_489, %dma_start3A_490] : memref<1024x128xf32, #tpu.memory_space<vmem_shared>> -> memref<1024x128xf32, #tpu.memory_space<vmem_shared>>
      %dma_start3A_492 = tpu.memref_slice %arg20[%dma_start3A_481] : memref<6x!tpu.dma_semaphore, #tpu.memory_space<semaphore_mem>> -> memref<1x!tpu.dma_semaphore, #tpu.memory_space<semaphore_mem>>
      %dma_start3A_493 = tpu.memref_squeeze %dma_start3A_492 : memref<1x!tpu.dma_semaphore, #tpu.memory_space<semaphore_mem>> -> memref<!tpu.dma_semaphore, #tpu.memory_space<semaphore_mem>>
      tpu.enqueue_indirect_dma source(%dma_start3A_485 : memref<128x128xf32, #tpu.memory_space<vmem>>) target(%dma_start3A_491 : memref<1024x128xf32, #tpu.memory_space<vmem_shared>>) offsets(%dma_start3A_488 : memref<128xi32, #tpu.memory_space<vmem>>) semaphore(%dma_start3A_493 : memref<!tpu.dma_semaphore, #tpu.memory_space<semaphore_mem>>) {add = true}
      %dma_start3A_494 = arith.constant 2 : i32
      %dma_start3A_495 = arith.constant 0 : i32
      %dma_start3A_496 = tpu.memref_slice %arg8[%add3A_479, %dma_start3A_495] : memref<32x128xi32, #tpu.memory_space<vmem>> -> memref<1x128xi32, #tpu.memory_space<vmem>>
      %dma_start3A_497 = tpu.memref_squeeze %dma_start3A_496 : memref<1x128xi32, #tpu.memory_space<vmem>> -> memref<128xi32, #tpu.memory_space<vmem>>
      %dma_start3A_498 = arith.constant 0 : i32
      %dma_start3A_499 = tpu.memref_slice %arg16[%dma_start3A_498] : memref<1024xf32, #tpu.memory_space<vmem_shared>> -> memref<1024xf32, #tpu.memory_space<vmem_shared>>
      %dma_start3A_500 = tpu.memref_slice %arg20[%dma_start3A_494] : memref<6x!tpu.dma_semaphore, #tpu.memory_space<semaphore_mem>> -> memref<1x!tpu.dma_semaphore, #tpu.memory_space<semaphore_mem>>
      %dma_start3A_501 = tpu.memref_squeeze %dma_start3A_500 : memref<1x!tpu.dma_semaphore, #tpu.memory_space<semaphore_mem>> -> memref<!tpu.dma_semaphore, #tpu.memory_space<semaphore_mem>>
      tpu.enqueue_indirect_dma source(%arg10 : memref<128xf32, #tpu.memory_space<vmem>>) target(%dma_start3A_499 : memref<1024xf32, #tpu.memory_space<vmem_shared>>) offsets(%dma_start3A_497 : memref<128xi32, #tpu.memory_space<vmem>>) semaphore(%dma_start3A_501 : memref<!tpu.dma_semaphore, #tpu.memory_space<semaphore_mem>>) {add = true}
      %dma_wait3A_502 = arith.constant 3 : i32
      %dma_wait3A_503 = arith.constant 3 : i32
      %dma_wait3A_504 = arith.constant 0 : i32
      %dma_wait3A_505 = arith.constant 0 : i32
      %dma_wait3A_506 = tpu.memref_slice %arg9[%dma_wait3A_502, %dma_wait3A_504, %dma_wait3A_505] : memref<6x128x128xf32, #tpu.memory_space<vmem>> -> memref<1x128x128xf32, #tpu.memory_space<vmem>>
      %dma_wait3A_507 = tpu.memref_squeeze %dma_wait3A_506 : memref<1x128x128xf32, #tpu.memory_space<vmem>> -> memref<128x128xf32, #tpu.memory_space<vmem>>
      %dma_wait3A_508 = arith.constant 0 : i32
      %dma_wait3A_509 = tpu.memref_slice %arg2[%mul3A_2, %dma_wait3A_508] : memref<131072x128xf32, #tpu.memory_space<hbm>> -> memref<128x128xf32, #tpu.memory_space<hbm>>
      %dma_wait3A_510 = tpu.memref_slice %arg19[%dma_wait3A_503] : memref<6x!tpu.dma_semaphore, #tpu.memory_space<semaphore_mem>> -> memref<1x!tpu.dma_semaphore, #tpu.memory_space<semaphore_mem>>
      %dma_wait3A_511 = tpu.memref_squeeze %dma_wait3A_510 : memref<1x!tpu.dma_semaphore, #tpu.memory_space<semaphore_mem>> -> memref<!tpu.dma_semaphore, #tpu.memory_space<semaphore_mem>>
      %dma_wait3A_512 = arith.constant 0 : i32
      %dma_wait3A_513 = arith.constant 0 : i32
      %dma_wait3A_514 = tpu.memref_slice %arg9[%dma_wait3A_502, %dma_wait3A_512, %dma_wait3A_513] : memref<6x128x128xf32, #tpu.memory_space<vmem>> -> memref<1x128x128xf32, #tpu.memory_space<vmem>>
      %dma_wait3A_515 = tpu.memref_squeeze %dma_wait3A_514 : memref<1x128x128xf32, #tpu.memory_space<vmem>> -> memref<128x128xf32, #tpu.memory_space<vmem>>
      %dma_wait3A_516 = arith.constant 0 : i32
      %dma_wait3A_517 = tpu.memref_slice %arg2[%mul3A_2, %dma_wait3A_516] : memref<131072x128xf32, #tpu.memory_space<hbm>> -> memref<128x128xf32, #tpu.memory_space<hbm>>
      tpu.wait_dma2 semaphore(%dma_wait3A_511 : memref<!tpu.dma_semaphore, #tpu.memory_space<semaphore_mem>>) src(%dma_wait3A_517 : memref<128x128xf32, #tpu.memory_space<hbm>>) dst(%dma_wait3A_515 : memref<128x128xf32, #tpu.memory_space<vmem>>)
      %add3A_518 = arith.constant 3 : i32
      %add3A_519 = arith.addi %add3A_381, %add3A_518 : i32
      %dma_start3A_520 = arith.constant 3 : i32
      %dma_start3A_521 = arith.constant 3 : i32
      %dma_start3A_522 = arith.constant 0 : i32
      %dma_start3A_523 = arith.constant 0 : i32
      %dma_start3A_524 = tpu.memref_slice %arg9[%dma_start3A_520, %dma_start3A_522, %dma_start3A_523] : memref<6x128x128xf32, #tpu.memory_space<vmem>> -> memref<1x128x128xf32, #tpu.memory_space<vmem>>
      %dma_start3A_525 = tpu.memref_squeeze %dma_start3A_524 : memref<1x128x128xf32, #tpu.memory_space<vmem>> -> memref<128x128xf32, #tpu.memory_space<vmem>>
      %dma_start3A_526 = arith.constant 0 : i32
      %dma_start3A_527 = tpu.memref_slice %arg8[%add3A_519, %dma_start3A_526] : memref<32x128xi32, #tpu.memory_space<vmem>> -> memref<1x128xi32, #tpu.memory_space<vmem>>
      %dma_start3A_528 = tpu.memref_squeeze %dma_start3A_527 : memref<1x128xi32, #tpu.memory_space<vmem>> -> memref<128xi32, #tpu.memory_space<vmem>>
      %dma_start3A_529 = arith.constant 0 : i32
      %dma_start3A_530 = arith.constant 0 : i32
      %dma_start3A_531 = tpu.memref_slice %arg15[%dma_start3A_529, %dma_start3A_530] : memref<1024x128xf32, #tpu.memory_space<vmem_shared>> -> memref<1024x128xf32, #tpu.memory_space<vmem_shared>>
      %dma_start3A_532 = tpu.memref_slice %arg20[%dma_start3A_521] : memref<6x!tpu.dma_semaphore, #tpu.memory_space<semaphore_mem>> -> memref<1x!tpu.dma_semaphore, #tpu.memory_space<semaphore_mem>>
      %dma_start3A_533 = tpu.memref_squeeze %dma_start3A_532 : memref<1x!tpu.dma_semaphore, #tpu.memory_space<semaphore_mem>> -> memref<!tpu.dma_semaphore, #tpu.memory_space<semaphore_mem>>
      tpu.enqueue_indirect_dma source(%dma_start3A_525 : memref<128x128xf32, #tpu.memory_space<vmem>>) target(%dma_start3A_531 : memref<1024x128xf32, #tpu.memory_space<vmem_shared>>) offsets(%dma_start3A_528 : memref<128xi32, #tpu.memory_space<vmem>>) semaphore(%dma_start3A_533 : memref<!tpu.dma_semaphore, #tpu.memory_space<semaphore_mem>>) {add = true}
      %dma_start3A_534 = arith.constant 3 : i32
      %dma_start3A_535 = arith.constant 0 : i32
      %dma_start3A_536 = tpu.memref_slice %arg8[%add3A_519, %dma_start3A_535] : memref<32x128xi32, #tpu.memory_space<vmem>> -> memref<1x128xi32, #tpu.memory_space<vmem>>
      %dma_start3A_537 = tpu.memref_squeeze %dma_start3A_536 : memref<1x128xi32, #tpu.memory_space<vmem>> -> memref<128xi32, #tpu.memory_space<vmem>>
      %dma_start3A_538 = arith.constant 0 : i32
      %dma_start3A_539 = tpu.memref_slice %arg16[%dma_start3A_538] : memref<1024xf32, #tpu.memory_space<vmem_shared>> -> memref<1024xf32, #tpu.memory_space<vmem_shared>>
      %dma_start3A_540 = tpu.memref_slice %arg20[%dma_start3A_534] : memref<6x!tpu.dma_semaphore, #tpu.memory_space<semaphore_mem>> -> memref<1x!tpu.dma_semaphore, #tpu.memory_space<semaphore_mem>>
      %dma_start3A_541 = tpu.memref_squeeze %dma_start3A_540 : memref<1x!tpu.dma_semaphore, #tpu.memory_space<semaphore_mem>> -> memref<!tpu.dma_semaphore, #tpu.memory_space<semaphore_mem>>
      tpu.enqueue_indirect_dma source(%arg10 : memref<128xf32, #tpu.memory_space<vmem>>) target(%dma_start3A_539 : memref<1024xf32, #tpu.memory_space<vmem_shared>>) offsets(%dma_start3A_537 : memref<128xi32, #tpu.memory_space<vmem>>) semaphore(%dma_start3A_541 : memref<!tpu.dma_semaphore, #tpu.memory_space<semaphore_mem>>) {add = true}
      %dma_wait3A_542 = arith.constant 4 : i32
      %dma_wait3A_543 = arith.constant 4 : i32
      %dma_wait3A_544 = arith.constant 0 : i32
      %dma_wait3A_545 = arith.constant 0 : i32
      %dma_wait3A_546 = tpu.memref_slice %arg9[%dma_wait3A_542, %dma_wait3A_544, %dma_wait3A_545] : memref<6x128x128xf32, #tpu.memory_space<vmem>> -> memref<1x128x128xf32, #tpu.memory_space<vmem>>
      %dma_wait3A_547 = tpu.memref_squeeze %dma_wait3A_546 : memref<1x128x128xf32, #tpu.memory_space<vmem>> -> memref<128x128xf32, #tpu.memory_space<vmem>>
      %dma_wait3A_548 = arith.constant 0 : i32
      %dma_wait3A_549 = tpu.memref_slice %arg2[%mul3A_2, %dma_wait3A_548] : memref<131072x128xf32, #tpu.memory_space<hbm>> -> memref<128x128xf32, #tpu.memory_space<hbm>>
      %dma_wait3A_550 = tpu.memref_slice %arg19[%dma_wait3A_543] : memref<6x!tpu.dma_semaphore, #tpu.memory_space<semaphore_mem>> -> memref<1x!tpu.dma_semaphore, #tpu.memory_space<semaphore_mem>>
      %dma_wait3A_551 = tpu.memref_squeeze %dma_wait3A_550 : memref<1x!tpu.dma_semaphore, #tpu.memory_space<semaphore_mem>> -> memref<!tpu.dma_semaphore, #tpu.memory_space<semaphore_mem>>
      %dma_wait3A_552 = arith.constant 0 : i32
      %dma_wait3A_553 = arith.constant 0 : i32
      %dma_wait3A_554 = tpu.memref_slice %arg9[%dma_wait3A_542, %dma_wait3A_552, %dma_wait3A_553] : memref<6x128x128xf32, #tpu.memory_space<vmem>> -> memref<1x128x128xf32, #tpu.memory_space<vmem>>
      %dma_wait3A_555 = tpu.memref_squeeze %dma_wait3A_554 : memref<1x128x128xf32, #tpu.memory_space<vmem>> -> memref<128x128xf32, #tpu.memory_space<vmem>>
      %dma_wait3A_556 = arith.constant 0 : i32
      %dma_wait3A_557 = tpu.memref_slice %arg2[%mul3A_2, %dma_wait3A_556] : memref<131072x128xf32, #tpu.memory_space<hbm>> -> memref<128x128xf32, #tpu.memory_space<hbm>>
      tpu.wait_dma2 semaphore(%dma_wait3A_551 : memref<!tpu.dma_semaphore, #tpu.memory_space<semaphore_mem>>) src(%dma_wait3A_557 : memref<128x128xf32, #tpu.memory_space<hbm>>) dst(%dma_wait3A_555 : memref<128x128xf32, #tpu.memory_space<vmem>>)
      %add3A_558 = arith.constant 4 : i32
      %add3A_559 = arith.addi %add3A_381, %add3A_558 : i32
      %dma_start3A_560 = arith.constant 4 : i32
      %dma_start3A_561 = arith.constant 4 : i32
      %dma_start3A_562 = arith.constant 0 : i32
      %dma_start3A_563 = arith.constant 0 : i32
      %dma_start3A_564 = tpu.memref_slice %arg9[%dma_start3A_560, %dma_start3A_562, %dma_start3A_563] : memref<6x128x128xf32, #tpu.memory_space<vmem>> -> memref<1x128x128xf32, #tpu.memory_space<vmem>>
      %dma_start3A_565 = tpu.memref_squeeze %dma_start3A_564 : memref<1x128x128xf32, #tpu.memory_space<vmem>> -> memref<128x128xf32, #tpu.memory_space<vmem>>
      %dma_start3A_566 = arith.constant 0 : i32
      %dma_start3A_567 = tpu.memref_slice %arg8[%add3A_559, %dma_start3A_566] : memref<32x128xi32, #tpu.memory_space<vmem>> -> memref<1x128xi32, #tpu.memory_space<vmem>>
      %dma_start3A_568 = tpu.memref_squeeze %dma_start3A_567 : memref<1x128xi32, #tpu.memory_space<vmem>> -> memref<128xi32, #tpu.memory_space<vmem>>
      %dma_start3A_569 = arith.constant 0 : i32
      %dma_start3A_570 = arith.constant 0 : i32
      %dma_start3A_571 = tpu.memref_slice %arg15[%dma_start3A_569, %dma_start3A_570] : memref<1024x128xf32, #tpu.memory_space<vmem_shared>> -> memref<1024x128xf32, #tpu.memory_space<vmem_shared>>
      %dma_start3A_572 = tpu.memref_slice %arg20[%dma_start3A_561] : memref<6x!tpu.dma_semaphore, #tpu.memory_space<semaphore_mem>> -> memref<1x!tpu.dma_semaphore, #tpu.memory_space<semaphore_mem>>
      %dma_start3A_573 = tpu.memref_squeeze %dma_start3A_572 : memref<1x!tpu.dma_semaphore, #tpu.memory_space<semaphore_mem>> -> memref<!tpu.dma_semaphore, #tpu.memory_space<semaphore_mem>>
      tpu.enqueue_indirect_dma source(%dma_start3A_565 : memref<128x128xf32, #tpu.memory_space<vmem>>) target(%dma_start3A_571 : memref<1024x128xf32, #tpu.memory_space<vmem_shared>>) offsets(%dma_start3A_568 : memref<128xi32, #tpu.memory_space<vmem>>) semaphore(%dma_start3A_573 : memref<!tpu.dma_semaphore, #tpu.memory_space<semaphore_mem>>) {add = true}
      %dma_start3A_574 = arith.constant 4 : i32
      %dma_start3A_575 = arith.constant 0 : i32
      %dma_start3A_576 = tpu.memref_slice %arg8[%add3A_559, %dma_start3A_575] : memref<32x128xi32, #tpu.memory_space<vmem>> -> memref<1x128xi32, #tpu.memory_space<vmem>>
      %dma_start3A_577 = tpu.memref_squeeze %dma_start3A_576 : memref<1x128xi32, #tpu.memory_space<vmem>> -> memref<128xi32, #tpu.memory_space<vmem>>
      %dma_start3A_578 = arith.constant 0 : i32
      %dma_start3A_579 = tpu.memref_slice %arg16[%dma_start3A_578] : memref<1024xf32, #tpu.memory_space<vmem_shared>> -> memref<1024xf32, #tpu.memory_space<vmem_shared>>
      %dma_start3A_580 = tpu.memref_slice %arg20[%dma_start3A_574] : memref<6x!tpu.dma_semaphore, #tpu.memory_space<semaphore_mem>> -> memref<1x!tpu.dma_semaphore, #tpu.memory_space<semaphore_mem>>
      %dma_start3A_581 = tpu.memref_squeeze %dma_start3A_580 : memref<1x!tpu.dma_semaphore, #tpu.memory_space<semaphore_mem>> -> memref<!tpu.dma_semaphore, #tpu.memory_space<semaphore_mem>>
      tpu.enqueue_indirect_dma source(%arg10 : memref<128xf32, #tpu.memory_space<vmem>>) target(%dma_start3A_579 : memref<1024xf32, #tpu.memory_space<vmem_shared>>) offsets(%dma_start3A_577 : memref<128xi32, #tpu.memory_space<vmem>>) semaphore(%dma_start3A_581 : memref<!tpu.dma_semaphore, #tpu.memory_space<semaphore_mem>>) {add = true}
      %dma_wait3A_582 = arith.constant 5 : i32
      %dma_wait3A_583 = arith.constant 5 : i32
      %dma_wait3A_584 = arith.constant 0 : i32
      %dma_wait3A_585 = arith.constant 0 : i32
      %dma_wait3A_586 = tpu.memref_slice %arg9[%dma_wait3A_582, %dma_wait3A_584, %dma_wait3A_585] : memref<6x128x128xf32, #tpu.memory_space<vmem>> -> memref<1x128x128xf32, #tpu.memory_space<vmem>>
      %dma_wait3A_587 = tpu.memref_squeeze %dma_wait3A_586 : memref<1x128x128xf32, #tpu.memory_space<vmem>> -> memref<128x128xf32, #tpu.memory_space<vmem>>
      %dma_wait3A_588 = arith.constant 0 : i32
      %dma_wait3A_589 = tpu.memref_slice %arg2[%mul3A_2, %dma_wait3A_588] : memref<131072x128xf32, #tpu.memory_space<hbm>> -> memref<128x128xf32, #tpu.memory_space<hbm>>
      %dma_wait3A_590 = tpu.memref_slice %arg19[%dma_wait3A_583] : memref<6x!tpu.dma_semaphore, #tpu.memory_space<semaphore_mem>> -> memref<1x!tpu.dma_semaphore, #tpu.memory_space<semaphore_mem>>
      %dma_wait3A_591 = tpu.memref_squeeze %dma_wait3A_590 : memref<1x!tpu.dma_semaphore, #tpu.memory_space<semaphore_mem>> -> memref<!tpu.dma_semaphore, #tpu.memory_space<semaphore_mem>>
      %dma_wait3A_592 = arith.constant 0 : i32
      %dma_wait3A_593 = arith.constant 0 : i32
      %dma_wait3A_594 = tpu.memref_slice %arg9[%dma_wait3A_582, %dma_wait3A_592, %dma_wait3A_593] : memref<6x128x128xf32, #tpu.memory_space<vmem>> -> memref<1x128x128xf32, #tpu.memory_space<vmem>>
      %dma_wait3A_595 = tpu.memref_squeeze %dma_wait3A_594 : memref<1x128x128xf32, #tpu.memory_space<vmem>> -> memref<128x128xf32, #tpu.memory_space<vmem>>
      %dma_wait3A_596 = arith.constant 0 : i32
      %dma_wait3A_597 = tpu.memref_slice %arg2[%mul3A_2, %dma_wait3A_596] : memref<131072x128xf32, #tpu.memory_space<hbm>> -> memref<128x128xf32, #tpu.memory_space<hbm>>
      tpu.wait_dma2 semaphore(%dma_wait3A_591 : memref<!tpu.dma_semaphore, #tpu.memory_space<semaphore_mem>>) src(%dma_wait3A_597 : memref<128x128xf32, #tpu.memory_space<hbm>>) dst(%dma_wait3A_595 : memref<128x128xf32, #tpu.memory_space<vmem>>)
      %add3A_598 = arith.constant 5 : i32
      %add3A_599 = arith.addi %add3A_381, %add3A_598 : i32
      %dma_start3A_600 = arith.constant 5 : i32
      %dma_start3A_601 = arith.constant 5 : i32
      %dma_start3A_602 = arith.constant 0 : i32
      %dma_start3A_603 = arith.constant 0 : i32
      %dma_start3A_604 = tpu.memref_slice %arg9[%dma_start3A_600, %dma_start3A_602, %dma_start3A_603] : memref<6x128x128xf32, #tpu.memory_space<vmem>> -> memref<1x128x128xf32, #tpu.memory_space<vmem>>
      %dma_start3A_605 = tpu.memref_squeeze %dma_start3A_604 : memref<1x128x128xf32, #tpu.memory_space<vmem>> -> memref<128x128xf32, #tpu.memory_space<vmem>>
      %dma_start3A_606 = arith.constant 0 : i32
      %dma_start3A_607 = tpu.memref_slice %arg8[%add3A_599, %dma_start3A_606] : memref<32x128xi32, #tpu.memory_space<vmem>> -> memref<1x128xi32, #tpu.memory_space<vmem>>
      %dma_start3A_608 = tpu.memref_squeeze %dma_start3A_607 : memref<1x128xi32, #tpu.memory_space<vmem>> -> memref<128xi32, #tpu.memory_space<vmem>>
      %dma_start3A_609 = arith.constant 0 : i32
      %dma_start3A_610 = arith.constant 0 : i32
      %dma_start3A_611 = tpu.memref_slice %arg15[%dma_start3A_609, %dma_start3A_610] : memref<1024x128xf32, #tpu.memory_space<vmem_shared>> -> memref<1024x128xf32, #tpu.memory_space<vmem_shared>>
      %dma_start3A_612 = tpu.memref_slice %arg20[%dma_start3A_601] : memref<6x!tpu.dma_semaphore, #tpu.memory_space<semaphore_mem>> -> memref<1x!tpu.dma_semaphore, #tpu.memory_space<semaphore_mem>>
      %dma_start3A_613 = tpu.memref_squeeze %dma_start3A_612 : memref<1x!tpu.dma_semaphore, #tpu.memory_space<semaphore_mem>> -> memref<!tpu.dma_semaphore, #tpu.memory_space<semaphore_mem>>
      tpu.enqueue_indirect_dma source(%dma_start3A_605 : memref<128x128xf32, #tpu.memory_space<vmem>>) target(%dma_start3A_611 : memref<1024x128xf32, #tpu.memory_space<vmem_shared>>) offsets(%dma_start3A_608 : memref<128xi32, #tpu.memory_space<vmem>>) semaphore(%dma_start3A_613 : memref<!tpu.dma_semaphore, #tpu.memory_space<semaphore_mem>>) {add = true}
      %dma_start3A_614 = arith.constant 5 : i32
      %dma_start3A_615 = arith.constant 0 : i32
      %dma_start3A_616 = tpu.memref_slice %arg8[%add3A_599, %dma_start3A_615] : memref<32x128xi32, #tpu.memory_space<vmem>> -> memref<1x128xi32, #tpu.memory_space<vmem>>
      %dma_start3A_617 = tpu.memref_squeeze %dma_start3A_616 : memref<1x128xi32, #tpu.memory_space<vmem>> -> memref<128xi32, #tpu.memory_space<vmem>>
      %dma_start3A_618 = arith.constant 0 : i32
      %dma_start3A_619 = tpu.memref_slice %arg16[%dma_start3A_618] : memref<1024xf32, #tpu.memory_space<vmem_shared>> -> memref<1024xf32, #tpu.memory_space<vmem_shared>>
      %dma_start3A_620 = tpu.memref_slice %arg20[%dma_start3A_614] : memref<6x!tpu.dma_semaphore, #tpu.memory_space<semaphore_mem>> -> memref<1x!tpu.dma_semaphore, #tpu.memory_space<semaphore_mem>>
      %dma_start3A_621 = tpu.memref_squeeze %dma_start3A_620 : memref<1x!tpu.dma_semaphore, #tpu.memory_space<semaphore_mem>> -> memref<!tpu.dma_semaphore, #tpu.memory_space<semaphore_mem>>
      tpu.enqueue_indirect_dma source(%arg10 : memref<128xf32, #tpu.memory_space<vmem>>) target(%dma_start3A_619 : memref<1024xf32, #tpu.memory_space<vmem_shared>>) offsets(%dma_start3A_617 : memref<128xi32, #tpu.memory_space<vmem>>) semaphore(%dma_start3A_621 : memref<!tpu.dma_semaphore, #tpu.memory_space<semaphore_mem>>) {add = true}
      %dma_wait3A_622 = arith.constant 0 : i32
      %dma_wait3A_623 = arith.constant 0 : i32
      %dma_wait3A_624 = arith.constant 0 : i32
      %dma_wait3A_625 = arith.constant 0 : i32
      %dma_wait3A_626 = tpu.memref_slice %arg9[%dma_wait3A_622, %dma_wait3A_624, %dma_wait3A_625] : memref<6x128x128xf32, #tpu.memory_space<vmem>> -> memref<1x128x128xf32, #tpu.memory_space<vmem>>
      %dma_wait3A_627 = tpu.memref_squeeze %dma_wait3A_626 : memref<1x128x128xf32, #tpu.memory_space<vmem>> -> memref<128x128xf32, #tpu.memory_space<vmem>>
      %dma_wait3A_628 = arith.constant 0 : i32
      %dma_wait3A_629 = tpu.memref_slice %arg8[%add3A_399, %dma_wait3A_628] : memref<32x128xi32, #tpu.memory_space<vmem>> -> memref<1x128xi32, #tpu.memory_space<vmem>>
      %dma_wait3A_630 = tpu.memref_squeeze %dma_wait3A_629 : memref<1x128xi32, #tpu.memory_space<vmem>> -> memref<128xi32, #tpu.memory_space<vmem>>
      %dma_wait3A_631 = arith.constant 0 : i32
      %dma_wait3A_632 = arith.constant 0 : i32
      %dma_wait3A_633 = tpu.memref_slice %arg15[%dma_wait3A_631, %dma_wait3A_632] : memref<1024x128xf32, #tpu.memory_space<vmem_shared>> -> memref<1024x128xf32, #tpu.memory_space<vmem_shared>>
      %dma_wait3A_634 = tpu.memref_slice %arg20[%dma_wait3A_623] : memref<6x!tpu.dma_semaphore, #tpu.memory_space<semaphore_mem>> -> memref<1x!tpu.dma_semaphore, #tpu.memory_space<semaphore_mem>>
      %dma_wait3A_635 = tpu.memref_squeeze %dma_wait3A_634 : memref<1x!tpu.dma_semaphore, #tpu.memory_space<semaphore_mem>> -> memref<!tpu.dma_semaphore, #tpu.memory_space<semaphore_mem>>
      tpu.wait_indirect_dma semaphore(%dma_wait3A_635 : memref<!tpu.dma_semaphore, #tpu.memory_space<semaphore_mem>>) src(%dma_wait3A_627 : memref<128x128xf32, #tpu.memory_space<vmem>>) dst(%dma_wait3A_633 : memref<1024x128xf32, #tpu.memory_space<vmem_shared>>)
      %dma_wait3A_636 = arith.constant 0 : i32
      %dma_wait3A_637 = arith.constant 0 : i32
      %dma_wait3A_638 = tpu.memref_slice %arg8[%add3A_399, %dma_wait3A_637] : memref<32x128xi32, #tpu.memory_space<vmem>> -> memref<1x128xi32, #tpu.memory_space<vmem>>
      %dma_wait3A_639 = tpu.memref_squeeze %dma_wait3A_638 : memref<1x128xi32, #tpu.memory_space<vmem>> -> memref<128xi32, #tpu.memory_space<vmem>>
      %dma_wait3A_640 = arith.constant 0 : i32
      %dma_wait3A_641 = tpu.memref_slice %arg16[%dma_wait3A_640] : memref<1024xf32, #tpu.memory_space<vmem_shared>> -> memref<1024xf32, #tpu.memory_space<vmem_shared>>
      %dma_wait3A_642 = tpu.memref_slice %arg20[%dma_wait3A_636] : memref<6x!tpu.dma_semaphore, #tpu.memory_space<semaphore_mem>> -> memref<1x!tpu.dma_semaphore, #tpu.memory_space<semaphore_mem>>
      %dma_wait3A_643 = tpu.memref_squeeze %dma_wait3A_642 : memref<1x!tpu.dma_semaphore, #tpu.memory_space<semaphore_mem>> -> memref<!tpu.dma_semaphore, #tpu.memory_space<semaphore_mem>>
      tpu.wait_indirect_dma semaphore(%dma_wait3A_643 : memref<!tpu.dma_semaphore, #tpu.memory_space<semaphore_mem>>) src(%arg10 : memref<128xf32, #tpu.memory_space<vmem>>) dst(%dma_wait3A_641 : memref<1024xf32, #tpu.memory_space<vmem_shared>>)
      %add3A_644 = arith.constant 6 : i32
      %add3A_645 = arith.addi %add3A_381, %add3A_644 : i32
      %add3A_646 = arith.constant 0 : i32
      %add3A_647 = arith.addi %add3A_645, %add3A_646 : i32
      %lt3A = arith.constant 32 : i32
      %lt3A_648 = arith.cmpi slt, %add3A_647, %lt3A : i32
      %convert_element_type3A = arith.extui %lt3A_648 : i1 to i32
      %cond3A = arith.constant 0 : i32
      %cond3A_649 = arith.cmpi ne, %convert_element_type3A, %cond3A : i32
      scf.if %cond3A_649 {
        %add3A_805 = arith.constant 6 : i32
        %add3A_806 = arith.addi %add3A_381, %add3A_805 : i32
        %add3A_807 = arith.constant 0 : i32
        %add3A_808 = arith.addi %add3A_806, %add3A_807 : i32
        %mul3A_809 = arith.constant 128 : i32
        %mul3A_810 = arith.muli %add3A_808, %mul3A_809 : i32
        %add3A_811 = arith.addi %mul3A_2, %mul3A_810 : i32
        %dma_start3A_812 = arith.constant 0 : i32
        %dma_start3A_813 = arith.constant 0 : i32
        %dma_start3A_814 = arith.constant 0 : i32
        %dma_start3A_815 = arith.constant 0 : i32
        %dma_start3A_816 = tpu.memref_slice %arg9[%dma_start3A_812, %dma_start3A_814, %dma_start3A_815] : memref<6x128x128xf32, #tpu.memory_space<vmem>> -> memref<1x128x128xf32, #tpu.memory_space<vmem>>
        %dma_start3A_817 = tpu.memref_squeeze %dma_start3A_816 : memref<1x128x128xf32, #tpu.memory_space<vmem>> -> memref<128x128xf32, #tpu.memory_space<vmem>>
        %dma_start3A_818 = arith.constant 0 : i32
        %dma_start3A_819 = tpu.memref_slice %arg2[%add3A_811, %dma_start3A_818] : memref<131072x128xf32, #tpu.memory_space<hbm>> -> memref<128x128xf32, #tpu.memory_space<hbm>>
        %dma_start3A_820 = tpu.memref_slice %arg19[%dma_start3A_813] : memref<6x!tpu.dma_semaphore, #tpu.memory_space<semaphore_mem>> -> memref<1x!tpu.dma_semaphore, #tpu.memory_space<semaphore_mem>>
        %dma_start3A_821 = tpu.memref_squeeze %dma_start3A_820 : memref<1x!tpu.dma_semaphore, #tpu.memory_space<semaphore_mem>> -> memref<!tpu.dma_semaphore, #tpu.memory_space<semaphore_mem>>
        %dma_start3A_822 = arith.constant 0 : i32
        %dma_start3A_823 = arith.constant 0 : i32
        %dma_start3A_824 = tpu.memref_slice %arg9[%dma_start3A_812, %dma_start3A_822, %dma_start3A_823] : memref<6x128x128xf32, #tpu.memory_space<vmem>> -> memref<1x128x128xf32, #tpu.memory_space<vmem>>
        %dma_start3A_825 = tpu.memref_squeeze %dma_start3A_824 : memref<1x128x128xf32, #tpu.memory_space<vmem>> -> memref<128x128xf32, #tpu.memory_space<vmem>>
        %dma_start3A_826 = arith.constant 0 : i32
        %dma_start3A_827 = tpu.memref_slice %arg2[%add3A_811, %dma_start3A_826] : memref<131072x128xf32, #tpu.memory_space<hbm>> -> memref<128x128xf32, #tpu.memory_space<hbm>>
        tpu.enqueue_dma source(%dma_start3A_827 : memref<128x128xf32, #tpu.memory_space<hbm>>) target(%dma_start3A_825 : memref<128x128xf32, #tpu.memory_space<vmem>>) target_semaphore(%dma_start3A_821 : memref<!tpu.dma_semaphore, #tpu.memory_space<semaphore_mem>>)
      } else {
      }
      %dma_wait3A_650 = arith.constant 1 : i32
      %dma_wait3A_651 = arith.constant 1 : i32
      %dma_wait3A_652 = arith.constant 0 : i32
      %dma_wait3A_653 = arith.constant 0 : i32
      %dma_wait3A_654 = tpu.memref_slice %arg9[%dma_wait3A_650, %dma_wait3A_652, %dma_wait3A_653] : memref<6x128x128xf32, #tpu.memory_space<vmem>> -> memref<1x128x128xf32, #tpu.memory_space<vmem>>
      %dma_wait3A_655 = tpu.memref_squeeze %dma_wait3A_654 : memref<1x128x128xf32, #tpu.memory_space<vmem>> -> memref<128x128xf32, #tpu.memory_space<vmem>>
      %dma_wait3A_656 = arith.constant 0 : i32
      %dma_wait3A_657 = tpu.memref_slice %arg8[%add3A_439, %dma_wait3A_656] : memref<32x128xi32, #tpu.memory_space<vmem>> -> memref<1x128xi32, #tpu.memory_space<vmem>>
      %dma_wait3A_658 = tpu.memref_squeeze %dma_wait3A_657 : memref<1x128xi32, #tpu.memory_space<vmem>> -> memref<128xi32, #tpu.memory_space<vmem>>
      %dma_wait3A_659 = arith.constant 0 : i32
      %dma_wait3A_660 = arith.constant 0 : i32
      %dma_wait3A_661 = tpu.memref_slice %arg15[%dma_wait3A_659, %dma_wait3A_660] : memref<1024x128xf32, #tpu.memory_space<vmem_shared>> -> memref<1024x128xf32, #tpu.memory_space<vmem_shared>>
      %dma_wait3A_662 = tpu.memref_slice %arg20[%dma_wait3A_651] : memref<6x!tpu.dma_semaphore, #tpu.memory_space<semaphore_mem>> -> memref<1x!tpu.dma_semaphore, #tpu.memory_space<semaphore_mem>>
      %dma_wait3A_663 = tpu.memref_squeeze %dma_wait3A_662 : memref<1x!tpu.dma_semaphore, #tpu.memory_space<semaphore_mem>> -> memref<!tpu.dma_semaphore, #tpu.memory_space<semaphore_mem>>
      tpu.wait_indirect_dma semaphore(%dma_wait3A_663 : memref<!tpu.dma_semaphore, #tpu.memory_space<semaphore_mem>>) src(%dma_wait3A_655 : memref<128x128xf32, #tpu.memory_space<vmem>>) dst(%dma_wait3A_661 : memref<1024x128xf32, #tpu.memory_space<vmem_shared>>)
      %dma_wait3A_664 = arith.constant 1 : i32
      %dma_wait3A_665 = arith.constant 0 : i32
      %dma_wait3A_666 = tpu.memref_slice %arg8[%add3A_439, %dma_wait3A_665] : memref<32x128xi32, #tpu.memory_space<vmem>> -> memref<1x128xi32, #tpu.memory_space<vmem>>
      %dma_wait3A_667 = tpu.memref_squeeze %dma_wait3A_666 : memref<1x128xi32, #tpu.memory_space<vmem>> -> memref<128xi32, #tpu.memory_space<vmem>>
      %dma_wait3A_668 = arith.constant 0 : i32
      %dma_wait3A_669 = tpu.memref_slice %arg16[%dma_wait3A_668] : memref<1024xf32, #tpu.memory_space<vmem_shared>> -> memref<1024xf32, #tpu.memory_space<vmem_shared>>
      %dma_wait3A_670 = tpu.memref_slice %arg20[%dma_wait3A_664] : memref<6x!tpu.dma_semaphore, #tpu.memory_space<semaphore_mem>> -> memref<1x!tpu.dma_semaphore, #tpu.memory_space<semaphore_mem>>
      %dma_wait3A_671 = tpu.memref_squeeze %dma_wait3A_670 : memref<1x!tpu.dma_semaphore, #tpu.memory_space<semaphore_mem>> -> memref<!tpu.dma_semaphore, #tpu.memory_space<semaphore_mem>>
      tpu.wait_indirect_dma semaphore(%dma_wait3A_671 : memref<!tpu.dma_semaphore, #tpu.memory_space<semaphore_mem>>) src(%arg10 : memref<128xf32, #tpu.memory_space<vmem>>) dst(%dma_wait3A_669 : memref<1024xf32, #tpu.memory_space<vmem_shared>>)
      %add3A_672 = arith.constant 6 : i32
      %add3A_673 = arith.addi %add3A_381, %add3A_672 : i32
      %add3A_674 = arith.constant 1 : i32
      %add3A_675 = arith.addi %add3A_673, %add3A_674 : i32
      %lt3A_676 = arith.constant 32 : i32
      %lt3A_677 = arith.cmpi slt, %add3A_675, %lt3A_676 : i32
      %convert_element_type3A_678 = arith.extui %lt3A_677 : i1 to i32
      %cond3A_679 = arith.constant 0 : i32
      %cond3A_680 = arith.cmpi ne, %convert_element_type3A_678, %cond3A_679 : i32
      scf.if %cond3A_680 {
        %add3A_805 = arith.constant 6 : i32
        %add3A_806 = arith.addi %add3A_381, %add3A_805 : i32
        %add3A_807 = arith.constant 1 : i32
        %add3A_808 = arith.addi %add3A_806, %add3A_807 : i32
        %mul3A_809 = arith.constant 128 : i32
        %mul3A_810 = arith.muli %add3A_808, %mul3A_809 : i32
        %add3A_811 = arith.addi %mul3A_2, %mul3A_810 : i32
        %dma_start3A_812 = arith.constant 1 : i32
        %dma_start3A_813 = arith.constant 1 : i32
        %dma_start3A_814 = arith.constant 0 : i32
        %dma_start3A_815 = arith.constant 0 : i32
        %dma_start3A_816 = tpu.memref_slice %arg9[%dma_start3A_812, %dma_start3A_814, %dma_start3A_815] : memref<6x128x128xf32, #tpu.memory_space<vmem>> -> memref<1x128x128xf32, #tpu.memory_space<vmem>>
        %dma_start3A_817 = tpu.memref_squeeze %dma_start3A_816 : memref<1x128x128xf32, #tpu.memory_space<vmem>> -> memref<128x128xf32, #tpu.memory_space<vmem>>
        %dma_start3A_818 = arith.constant 0 : i32
        %dma_start3A_819 = tpu.memref_slice %arg2[%add3A_811, %dma_start3A_818] : memref<131072x128xf32, #tpu.memory_space<hbm>> -> memref<128x128xf32, #tpu.memory_space<hbm>>
        %dma_start3A_820 = tpu.memref_slice %arg19[%dma_start3A_813] : memref<6x!tpu.dma_semaphore, #tpu.memory_space<semaphore_mem>> -> memref<1x!tpu.dma_semaphore, #tpu.memory_space<semaphore_mem>>
        %dma_start3A_821 = tpu.memref_squeeze %dma_start3A_820 : memref<1x!tpu.dma_semaphore, #tpu.memory_space<semaphore_mem>> -> memref<!tpu.dma_semaphore, #tpu.memory_space<semaphore_mem>>
        %dma_start3A_822 = arith.constant 0 : i32
        %dma_start3A_823 = arith.constant 0 : i32
        %dma_start3A_824 = tpu.memref_slice %arg9[%dma_start3A_812, %dma_start3A_822, %dma_start3A_823] : memref<6x128x128xf32, #tpu.memory_space<vmem>> -> memref<1x128x128xf32, #tpu.memory_space<vmem>>
        %dma_start3A_825 = tpu.memref_squeeze %dma_start3A_824 : memref<1x128x128xf32, #tpu.memory_space<vmem>> -> memref<128x128xf32, #tpu.memory_space<vmem>>
        %dma_start3A_826 = arith.constant 0 : i32
        %dma_start3A_827 = tpu.memref_slice %arg2[%add3A_811, %dma_start3A_826] : memref<131072x128xf32, #tpu.memory_space<hbm>> -> memref<128x128xf32, #tpu.memory_space<hbm>>
        tpu.enqueue_dma source(%dma_start3A_827 : memref<128x128xf32, #tpu.memory_space<hbm>>) target(%dma_start3A_825 : memref<128x128xf32, #tpu.memory_space<vmem>>) target_semaphore(%dma_start3A_821 : memref<!tpu.dma_semaphore, #tpu.memory_space<semaphore_mem>>)
      } else {
      }
      %dma_wait3A_681 = arith.constant 2 : i32
      %dma_wait3A_682 = arith.constant 2 : i32
      %dma_wait3A_683 = arith.constant 0 : i32
      %dma_wait3A_684 = arith.constant 0 : i32
      %dma_wait3A_685 = tpu.memref_slice %arg9[%dma_wait3A_681, %dma_wait3A_683, %dma_wait3A_684] : memref<6x128x128xf32, #tpu.memory_space<vmem>> -> memref<1x128x128xf32, #tpu.memory_space<vmem>>
      %dma_wait3A_686 = tpu.memref_squeeze %dma_wait3A_685 : memref<1x128x128xf32, #tpu.memory_space<vmem>> -> memref<128x128xf32, #tpu.memory_space<vmem>>
      %dma_wait3A_687 = arith.constant 0 : i32
      %dma_wait3A_688 = tpu.memref_slice %arg8[%add3A_479, %dma_wait3A_687] : memref<32x128xi32, #tpu.memory_space<vmem>> -> memref<1x128xi32, #tpu.memory_space<vmem>>
      %dma_wait3A_689 = tpu.memref_squeeze %dma_wait3A_688 : memref<1x128xi32, #tpu.memory_space<vmem>> -> memref<128xi32, #tpu.memory_space<vmem>>
      %dma_wait3A_690 = arith.constant 0 : i32
      %dma_wait3A_691 = arith.constant 0 : i32
      %dma_wait3A_692 = tpu.memref_slice %arg15[%dma_wait3A_690, %dma_wait3A_691] : memref<1024x128xf32, #tpu.memory_space<vmem_shared>> -> memref<1024x128xf32, #tpu.memory_space<vmem_shared>>
      %dma_wait3A_693 = tpu.memref_slice %arg20[%dma_wait3A_682] : memref<6x!tpu.dma_semaphore, #tpu.memory_space<semaphore_mem>> -> memref<1x!tpu.dma_semaphore, #tpu.memory_space<semaphore_mem>>
      %dma_wait3A_694 = tpu.memref_squeeze %dma_wait3A_693 : memref<1x!tpu.dma_semaphore, #tpu.memory_space<semaphore_mem>> -> memref<!tpu.dma_semaphore, #tpu.memory_space<semaphore_mem>>
      tpu.wait_indirect_dma semaphore(%dma_wait3A_694 : memref<!tpu.dma_semaphore, #tpu.memory_space<semaphore_mem>>) src(%dma_wait3A_686 : memref<128x128xf32, #tpu.memory_space<vmem>>) dst(%dma_wait3A_692 : memref<1024x128xf32, #tpu.memory_space<vmem_shared>>)
      %dma_wait3A_695 = arith.constant 2 : i32
      %dma_wait3A_696 = arith.constant 0 : i32
      %dma_wait3A_697 = tpu.memref_slice %arg8[%add3A_479, %dma_wait3A_696] : memref<32x128xi32, #tpu.memory_space<vmem>> -> memref<1x128xi32, #tpu.memory_space<vmem>>
      %dma_wait3A_698 = tpu.memref_squeeze %dma_wait3A_697 : memref<1x128xi32, #tpu.memory_space<vmem>> -> memref<128xi32, #tpu.memory_space<vmem>>
      %dma_wait3A_699 = arith.constant 0 : i32
      %dma_wait3A_700 = tpu.memref_slice %arg16[%dma_wait3A_699] : memref<1024xf32, #tpu.memory_space<vmem_shared>> -> memref<1024xf32, #tpu.memory_space<vmem_shared>>
      %dma_wait3A_701 = tpu.memref_slice %arg20[%dma_wait3A_695] : memref<6x!tpu.dma_semaphore, #tpu.memory_space<semaphore_mem>> -> memref<1x!tpu.dma_semaphore, #tpu.memory_space<semaphore_mem>>
      %dma_wait3A_702 = tpu.memref_squeeze %dma_wait3A_701 : memref<1x!tpu.dma_semaphore, #tpu.memory_space<semaphore_mem>> -> memref<!tpu.dma_semaphore, #tpu.memory_space<semaphore_mem>>
      tpu.wait_indirect_dma semaphore(%dma_wait3A_702 : memref<!tpu.dma_semaphore, #tpu.memory_space<semaphore_mem>>) src(%arg10 : memref<128xf32, #tpu.memory_space<vmem>>) dst(%dma_wait3A_700 : memref<1024xf32, #tpu.memory_space<vmem_shared>>)
      %add3A_703 = arith.constant 6 : i32
      %add3A_704 = arith.addi %add3A_381, %add3A_703 : i32
      %add3A_705 = arith.constant 2 : i32
      %add3A_706 = arith.addi %add3A_704, %add3A_705 : i32
      %lt3A_707 = arith.constant 32 : i32
      %lt3A_708 = arith.cmpi slt, %add3A_706, %lt3A_707 : i32
      %convert_element_type3A_709 = arith.extui %lt3A_708 : i1 to i32
      %cond3A_710 = arith.constant 0 : i32
      %cond3A_711 = arith.cmpi ne, %convert_element_type3A_709, %cond3A_710 : i32
      scf.if %cond3A_711 {
        %add3A_805 = arith.constant 6 : i32
        %add3A_806 = arith.addi %add3A_381, %add3A_805 : i32
        %add3A_807 = arith.constant 2 : i32
        %add3A_808 = arith.addi %add3A_806, %add3A_807 : i32
        %mul3A_809 = arith.constant 128 : i32
        %mul3A_810 = arith.muli %add3A_808, %mul3A_809 : i32
        %add3A_811 = arith.addi %mul3A_2, %mul3A_810 : i32
        %dma_start3A_812 = arith.constant 2 : i32
        %dma_start3A_813 = arith.constant 2 : i32
        %dma_start3A_814 = arith.constant 0 : i32
        %dma_start3A_815 = arith.constant 0 : i32
        %dma_start3A_816 = tpu.memref_slice %arg9[%dma_start3A_812, %dma_start3A_814, %dma_start3A_815] : memref<6x128x128xf32, #tpu.memory_space<vmem>> -> memref<1x128x128xf32, #tpu.memory_space<vmem>>
        %dma_start3A_817 = tpu.memref_squeeze %dma_start3A_816 : memref<1x128x128xf32, #tpu.memory_space<vmem>> -> memref<128x128xf32, #tpu.memory_space<vmem>>
        %dma_start3A_818 = arith.constant 0 : i32
        %dma_start3A_819 = tpu.memref_slice %arg2[%add3A_811, %dma_start3A_818] : memref<131072x128xf32, #tpu.memory_space<hbm>> -> memref<128x128xf32, #tpu.memory_space<hbm>>
        %dma_start3A_820 = tpu.memref_slice %arg19[%dma_start3A_813] : memref<6x!tpu.dma_semaphore, #tpu.memory_space<semaphore_mem>> -> memref<1x!tpu.dma_semaphore, #tpu.memory_space<semaphore_mem>>
        %dma_start3A_821 = tpu.memref_squeeze %dma_start3A_820 : memref<1x!tpu.dma_semaphore, #tpu.memory_space<semaphore_mem>> -> memref<!tpu.dma_semaphore, #tpu.memory_space<semaphore_mem>>
        %dma_start3A_822 = arith.constant 0 : i32
        %dma_start3A_823 = arith.constant 0 : i32
        %dma_start3A_824 = tpu.memref_slice %arg9[%dma_start3A_812, %dma_start3A_822, %dma_start3A_823] : memref<6x128x128xf32, #tpu.memory_space<vmem>> -> memref<1x128x128xf32, #tpu.memory_space<vmem>>
        %dma_start3A_825 = tpu.memref_squeeze %dma_start3A_824 : memref<1x128x128xf32, #tpu.memory_space<vmem>> -> memref<128x128xf32, #tpu.memory_space<vmem>>
        %dma_start3A_826 = arith.constant 0 : i32
        %dma_start3A_827 = tpu.memref_slice %arg2[%add3A_811, %dma_start3A_826] : memref<131072x128xf32, #tpu.memory_space<hbm>> -> memref<128x128xf32, #tpu.memory_space<hbm>>
        tpu.enqueue_dma source(%dma_start3A_827 : memref<128x128xf32, #tpu.memory_space<hbm>>) target(%dma_start3A_825 : memref<128x128xf32, #tpu.memory_space<vmem>>) target_semaphore(%dma_start3A_821 : memref<!tpu.dma_semaphore, #tpu.memory_space<semaphore_mem>>)
      } else {
      }
      %dma_wait3A_712 = arith.constant 3 : i32
      %dma_wait3A_713 = arith.constant 3 : i32
      %dma_wait3A_714 = arith.constant 0 : i32
      %dma_wait3A_715 = arith.constant 0 : i32
      %dma_wait3A_716 = tpu.memref_slice %arg9[%dma_wait3A_712, %dma_wait3A_714, %dma_wait3A_715] : memref<6x128x128xf32, #tpu.memory_space<vmem>> -> memref<1x128x128xf32, #tpu.memory_space<vmem>>
      %dma_wait3A_717 = tpu.memref_squeeze %dma_wait3A_716 : memref<1x128x128xf32, #tpu.memory_space<vmem>> -> memref<128x128xf32, #tpu.memory_space<vmem>>
      %dma_wait3A_718 = arith.constant 0 : i32
      %dma_wait3A_719 = tpu.memref_slice %arg8[%add3A_519, %dma_wait3A_718] : memref<32x128xi32, #tpu.memory_space<vmem>> -> memref<1x128xi32, #tpu.memory_space<vmem>>
      %dma_wait3A_720 = tpu.memref_squeeze %dma_wait3A_719 : memref<1x128xi32, #tpu.memory_space<vmem>> -> memref<128xi32, #tpu.memory_space<vmem>>
      %dma_wait3A_721 = arith.constant 0 : i32
      %dma_wait3A_722 = arith.constant 0 : i32
      %dma_wait3A_723 = tpu.memref_slice %arg15[%dma_wait3A_721, %dma_wait3A_722] : memref<1024x128xf32, #tpu.memory_space<vmem_shared>> -> memref<1024x128xf32, #tpu.memory_space<vmem_shared>>
      %dma_wait3A_724 = tpu.memref_slice %arg20[%dma_wait3A_713] : memref<6x!tpu.dma_semaphore, #tpu.memory_space<semaphore_mem>> -> memref<1x!tpu.dma_semaphore, #tpu.memory_space<semaphore_mem>>
      %dma_wait3A_725 = tpu.memref_squeeze %dma_wait3A_724 : memref<1x!tpu.dma_semaphore, #tpu.memory_space<semaphore_mem>> -> memref<!tpu.dma_semaphore, #tpu.memory_space<semaphore_mem>>
      tpu.wait_indirect_dma semaphore(%dma_wait3A_725 : memref<!tpu.dma_semaphore, #tpu.memory_space<semaphore_mem>>) src(%dma_wait3A_717 : memref<128x128xf32, #tpu.memory_space<vmem>>) dst(%dma_wait3A_723 : memref<1024x128xf32, #tpu.memory_space<vmem_shared>>)
      %dma_wait3A_726 = arith.constant 3 : i32
      %dma_wait3A_727 = arith.constant 0 : i32
      %dma_wait3A_728 = tpu.memref_slice %arg8[%add3A_519, %dma_wait3A_727] : memref<32x128xi32, #tpu.memory_space<vmem>> -> memref<1x128xi32, #tpu.memory_space<vmem>>
      %dma_wait3A_729 = tpu.memref_squeeze %dma_wait3A_728 : memref<1x128xi32, #tpu.memory_space<vmem>> -> memref<128xi32, #tpu.memory_space<vmem>>
      %dma_wait3A_730 = arith.constant 0 : i32
      %dma_wait3A_731 = tpu.memref_slice %arg16[%dma_wait3A_730] : memref<1024xf32, #tpu.memory_space<vmem_shared>> -> memref<1024xf32, #tpu.memory_space<vmem_shared>>
      %dma_wait3A_732 = tpu.memref_slice %arg20[%dma_wait3A_726] : memref<6x!tpu.dma_semaphore, #tpu.memory_space<semaphore_mem>> -> memref<1x!tpu.dma_semaphore, #tpu.memory_space<semaphore_mem>>
      %dma_wait3A_733 = tpu.memref_squeeze %dma_wait3A_732 : memref<1x!tpu.dma_semaphore, #tpu.memory_space<semaphore_mem>> -> memref<!tpu.dma_semaphore, #tpu.memory_space<semaphore_mem>>
      tpu.wait_indirect_dma semaphore(%dma_wait3A_733 : memref<!tpu.dma_semaphore, #tpu.memory_space<semaphore_mem>>) src(%arg10 : memref<128xf32, #tpu.memory_space<vmem>>) dst(%dma_wait3A_731 : memref<1024xf32, #tpu.memory_space<vmem_shared>>)
      %add3A_734 = arith.constant 6 : i32
      %add3A_735 = arith.addi %add3A_381, %add3A_734 : i32
      %add3A_736 = arith.constant 3 : i32
      %add3A_737 = arith.addi %add3A_735, %add3A_736 : i32
      %lt3A_738 = arith.constant 32 : i32
      %lt3A_739 = arith.cmpi slt, %add3A_737, %lt3A_738 : i32
      %convert_element_type3A_740 = arith.extui %lt3A_739 : i1 to i32
      %cond3A_741 = arith.constant 0 : i32
      %cond3A_742 = arith.cmpi ne, %convert_element_type3A_740, %cond3A_741 : i32
      scf.if %cond3A_742 {
        %add3A_805 = arith.constant 6 : i32
        %add3A_806 = arith.addi %add3A_381, %add3A_805 : i32
        %add3A_807 = arith.constant 3 : i32
        %add3A_808 = arith.addi %add3A_806, %add3A_807 : i32
        %mul3A_809 = arith.constant 128 : i32
        %mul3A_810 = arith.muli %add3A_808, %mul3A_809 : i32
        %add3A_811 = arith.addi %mul3A_2, %mul3A_810 : i32
        %dma_start3A_812 = arith.constant 3 : i32
        %dma_start3A_813 = arith.constant 3 : i32
        %dma_start3A_814 = arith.constant 0 : i32
        %dma_start3A_815 = arith.constant 0 : i32
        %dma_start3A_816 = tpu.memref_slice %arg9[%dma_start3A_812, %dma_start3A_814, %dma_start3A_815] : memref<6x128x128xf32, #tpu.memory_space<vmem>> -> memref<1x128x128xf32, #tpu.memory_space<vmem>>
        %dma_start3A_817 = tpu.memref_squeeze %dma_start3A_816 : memref<1x128x128xf32, #tpu.memory_space<vmem>> -> memref<128x128xf32, #tpu.memory_space<vmem>>
        %dma_start3A_818 = arith.constant 0 : i32
        %dma_start3A_819 = tpu.memref_slice %arg2[%add3A_811, %dma_start3A_818] : memref<131072x128xf32, #tpu.memory_space<hbm>> -> memref<128x128xf32, #tpu.memory_space<hbm>>
        %dma_start3A_820 = tpu.memref_slice %arg19[%dma_start3A_813] : memref<6x!tpu.dma_semaphore, #tpu.memory_space<semaphore_mem>> -> memref<1x!tpu.dma_semaphore, #tpu.memory_space<semaphore_mem>>
        %dma_start3A_821 = tpu.memref_squeeze %dma_start3A_820 : memref<1x!tpu.dma_semaphore, #tpu.memory_space<semaphore_mem>> -> memref<!tpu.dma_semaphore, #tpu.memory_space<semaphore_mem>>
        %dma_start3A_822 = arith.constant 0 : i32
        %dma_start3A_823 = arith.constant 0 : i32
        %dma_start3A_824 = tpu.memref_slice %arg9[%dma_start3A_812, %dma_start3A_822, %dma_start3A_823] : memref<6x128x128xf32, #tpu.memory_space<vmem>> -> memref<1x128x128xf32, #tpu.memory_space<vmem>>
        %dma_start3A_825 = tpu.memref_squeeze %dma_start3A_824 : memref<1x128x128xf32, #tpu.memory_space<vmem>> -> memref<128x128xf32, #tpu.memory_space<vmem>>
        %dma_start3A_826 = arith.constant 0 : i32
        %dma_start3A_827 = tpu.memref_slice %arg2[%add3A_811, %dma_start3A_826] : memref<131072x128xf32, #tpu.memory_space<hbm>> -> memref<128x128xf32, #tpu.memory_space<hbm>>
        tpu.enqueue_dma source(%dma_start3A_827 : memref<128x128xf32, #tpu.memory_space<hbm>>) target(%dma_start3A_825 : memref<128x128xf32, #tpu.memory_space<vmem>>) target_semaphore(%dma_start3A_821 : memref<!tpu.dma_semaphore, #tpu.memory_space<semaphore_mem>>)
      } else {
      }
      %dma_wait3A_743 = arith.constant 4 : i32
      %dma_wait3A_744 = arith.constant 4 : i32
      %dma_wait3A_745 = arith.constant 0 : i32
      %dma_wait3A_746 = arith.constant 0 : i32
      %dma_wait3A_747 = tpu.memref_slice %arg9[%dma_wait3A_743, %dma_wait3A_745, %dma_wait3A_746] : memref<6x128x128xf32, #tpu.memory_space<vmem>> -> memref<1x128x128xf32, #tpu.memory_space<vmem>>
      %dma_wait3A_748 = tpu.memref_squeeze %dma_wait3A_747 : memref<1x128x128xf32, #tpu.memory_space<vmem>> -> memref<128x128xf32, #tpu.memory_space<vmem>>
      %dma_wait3A_749 = arith.constant 0 : i32
      %dma_wait3A_750 = tpu.memref_slice %arg8[%add3A_559, %dma_wait3A_749] : memref<32x128xi32, #tpu.memory_space<vmem>> -> memref<1x128xi32, #tpu.memory_space<vmem>>
      %dma_wait3A_751 = tpu.memref_squeeze %dma_wait3A_750 : memref<1x128xi32, #tpu.memory_space<vmem>> -> memref<128xi32, #tpu.memory_space<vmem>>
      %dma_wait3A_752 = arith.constant 0 : i32
      %dma_wait3A_753 = arith.constant 0 : i32
      %dma_wait3A_754 = tpu.memref_slice %arg15[%dma_wait3A_752, %dma_wait3A_753] : memref<1024x128xf32, #tpu.memory_space<vmem_shared>> -> memref<1024x128xf32, #tpu.memory_space<vmem_shared>>
      %dma_wait3A_755 = tpu.memref_slice %arg20[%dma_wait3A_744] : memref<6x!tpu.dma_semaphore, #tpu.memory_space<semaphore_mem>> -> memref<1x!tpu.dma_semaphore, #tpu.memory_space<semaphore_mem>>
      %dma_wait3A_756 = tpu.memref_squeeze %dma_wait3A_755 : memref<1x!tpu.dma_semaphore, #tpu.memory_space<semaphore_mem>> -> memref<!tpu.dma_semaphore, #tpu.memory_space<semaphore_mem>>
      tpu.wait_indirect_dma semaphore(%dma_wait3A_756 : memref<!tpu.dma_semaphore, #tpu.memory_space<semaphore_mem>>) src(%dma_wait3A_748 : memref<128x128xf32, #tpu.memory_space<vmem>>) dst(%dma_wait3A_754 : memref<1024x128xf32, #tpu.memory_space<vmem_shared>>)
      %dma_wait3A_757 = arith.constant 4 : i32
      %dma_wait3A_758 = arith.constant 0 : i32
      %dma_wait3A_759 = tpu.memref_slice %arg8[%add3A_559, %dma_wait3A_758] : memref<32x128xi32, #tpu.memory_space<vmem>> -> memref<1x128xi32, #tpu.memory_space<vmem>>
      %dma_wait3A_760 = tpu.memref_squeeze %dma_wait3A_759 : memref<1x128xi32, #tpu.memory_space<vmem>> -> memref<128xi32, #tpu.memory_space<vmem>>
      %dma_wait3A_761 = arith.constant 0 : i32
      %dma_wait3A_762 = tpu.memref_slice %arg16[%dma_wait3A_761] : memref<1024xf32, #tpu.memory_space<vmem_shared>> -> memref<1024xf32, #tpu.memory_space<vmem_shared>>
      %dma_wait3A_763 = tpu.memref_slice %arg20[%dma_wait3A_757] : memref<6x!tpu.dma_semaphore, #tpu.memory_space<semaphore_mem>> -> memref<1x!tpu.dma_semaphore, #tpu.memory_space<semaphore_mem>>
      %dma_wait3A_764 = tpu.memref_squeeze %dma_wait3A_763 : memref<1x!tpu.dma_semaphore, #tpu.memory_space<semaphore_mem>> -> memref<!tpu.dma_semaphore, #tpu.memory_space<semaphore_mem>>
      tpu.wait_indirect_dma semaphore(%dma_wait3A_764 : memref<!tpu.dma_semaphore, #tpu.memory_space<semaphore_mem>>) src(%arg10 : memref<128xf32, #tpu.memory_space<vmem>>) dst(%dma_wait3A_762 : memref<1024xf32, #tpu.memory_space<vmem_shared>>)
      %add3A_765 = arith.constant 6 : i32
      %add3A_766 = arith.addi %add3A_381, %add3A_765 : i32
      %add3A_767 = arith.constant 4 : i32
      %add3A_768 = arith.addi %add3A_766, %add3A_767 : i32
      %lt3A_769 = arith.constant 32 : i32
      %lt3A_770 = arith.cmpi slt, %add3A_768, %lt3A_769 : i32
      %convert_element_type3A_771 = arith.extui %lt3A_770 : i1 to i32
      %cond3A_772 = arith.constant 0 : i32
      %cond3A_773 = arith.cmpi ne, %convert_element_type3A_771, %cond3A_772 : i32
      scf.if %cond3A_773 {
        %add3A_805 = arith.constant 6 : i32
        %add3A_806 = arith.addi %add3A_381, %add3A_805 : i32
        %add3A_807 = arith.constant 4 : i32
        %add3A_808 = arith.addi %add3A_806, %add3A_807 : i32
        %mul3A_809 = arith.constant 128 : i32
        %mul3A_810 = arith.muli %add3A_808, %mul3A_809 : i32
        %add3A_811 = arith.addi %mul3A_2, %mul3A_810 : i32
        %dma_start3A_812 = arith.constant 4 : i32
        %dma_start3A_813 = arith.constant 4 : i32
        %dma_start3A_814 = arith.constant 0 : i32
        %dma_start3A_815 = arith.constant 0 : i32
        %dma_start3A_816 = tpu.memref_slice %arg9[%dma_start3A_812, %dma_start3A_814, %dma_start3A_815] : memref<6x128x128xf32, #tpu.memory_space<vmem>> -> memref<1x128x128xf32, #tpu.memory_space<vmem>>
        %dma_start3A_817 = tpu.memref_squeeze %dma_start3A_816 : memref<1x128x128xf32, #tpu.memory_space<vmem>> -> memref<128x128xf32, #tpu.memory_space<vmem>>
        %dma_start3A_818 = arith.constant 0 : i32
        %dma_start3A_819 = tpu.memref_slice %arg2[%add3A_811, %dma_start3A_818] : memref<131072x128xf32, #tpu.memory_space<hbm>> -> memref<128x128xf32, #tpu.memory_space<hbm>>
        %dma_start3A_820 = tpu.memref_slice %arg19[%dma_start3A_813] : memref<6x!tpu.dma_semaphore, #tpu.memory_space<semaphore_mem>> -> memref<1x!tpu.dma_semaphore, #tpu.memory_space<semaphore_mem>>
        %dma_start3A_821 = tpu.memref_squeeze %dma_start3A_820 : memref<1x!tpu.dma_semaphore, #tpu.memory_space<semaphore_mem>> -> memref<!tpu.dma_semaphore, #tpu.memory_space<semaphore_mem>>
        %dma_start3A_822 = arith.constant 0 : i32
        %dma_start3A_823 = arith.constant 0 : i32
        %dma_start3A_824 = tpu.memref_slice %arg9[%dma_start3A_812, %dma_start3A_822, %dma_start3A_823] : memref<6x128x128xf32, #tpu.memory_space<vmem>> -> memref<1x128x128xf32, #tpu.memory_space<vmem>>
        %dma_start3A_825 = tpu.memref_squeeze %dma_start3A_824 : memref<1x128x128xf32, #tpu.memory_space<vmem>> -> memref<128x128xf32, #tpu.memory_space<vmem>>
        %dma_start3A_826 = arith.constant 0 : i32
        %dma_start3A_827 = tpu.memref_slice %arg2[%add3A_811, %dma_start3A_826] : memref<131072x128xf32, #tpu.memory_space<hbm>> -> memref<128x128xf32, #tpu.memory_space<hbm>>
        tpu.enqueue_dma source(%dma_start3A_827 : memref<128x128xf32, #tpu.memory_space<hbm>>) target(%dma_start3A_825 : memref<128x128xf32, #tpu.memory_space<vmem>>) target_semaphore(%dma_start3A_821 : memref<!tpu.dma_semaphore, #tpu.memory_space<semaphore_mem>>)
      } else {
      }
      %dma_wait3A_774 = arith.constant 5 : i32
      %dma_wait3A_775 = arith.constant 5 : i32
      %dma_wait3A_776 = arith.constant 0 : i32
      %dma_wait3A_777 = arith.constant 0 : i32
      %dma_wait3A_778 = tpu.memref_slice %arg9[%dma_wait3A_774, %dma_wait3A_776, %dma_wait3A_777] : memref<6x128x128xf32, #tpu.memory_space<vmem>> -> memref<1x128x128xf32, #tpu.memory_space<vmem>>
      %dma_wait3A_779 = tpu.memref_squeeze %dma_wait3A_778 : memref<1x128x128xf32, #tpu.memory_space<vmem>> -> memref<128x128xf32, #tpu.memory_space<vmem>>
      %dma_wait3A_780 = arith.constant 0 : i32
      %dma_wait3A_781 = tpu.memref_slice %arg8[%add3A_599, %dma_wait3A_780] : memref<32x128xi32, #tpu.memory_space<vmem>> -> memref<1x128xi32, #tpu.memory_space<vmem>>
      %dma_wait3A_782 = tpu.memref_squeeze %dma_wait3A_781 : memref<1x128xi32, #tpu.memory_space<vmem>> -> memref<128xi32, #tpu.memory_space<vmem>>
      %dma_wait3A_783 = arith.constant 0 : i32
      %dma_wait3A_784 = arith.constant 0 : i32
      %dma_wait3A_785 = tpu.memref_slice %arg15[%dma_wait3A_783, %dma_wait3A_784] : memref<1024x128xf32, #tpu.memory_space<vmem_shared>> -> memref<1024x128xf32, #tpu.memory_space<vmem_shared>>
      %dma_wait3A_786 = tpu.memref_slice %arg20[%dma_wait3A_775] : memref<6x!tpu.dma_semaphore, #tpu.memory_space<semaphore_mem>> -> memref<1x!tpu.dma_semaphore, #tpu.memory_space<semaphore_mem>>
      %dma_wait3A_787 = tpu.memref_squeeze %dma_wait3A_786 : memref<1x!tpu.dma_semaphore, #tpu.memory_space<semaphore_mem>> -> memref<!tpu.dma_semaphore, #tpu.memory_space<semaphore_mem>>
      tpu.wait_indirect_dma semaphore(%dma_wait3A_787 : memref<!tpu.dma_semaphore, #tpu.memory_space<semaphore_mem>>) src(%dma_wait3A_779 : memref<128x128xf32, #tpu.memory_space<vmem>>) dst(%dma_wait3A_785 : memref<1024x128xf32, #tpu.memory_space<vmem_shared>>)
      %dma_wait3A_788 = arith.constant 5 : i32
      %dma_wait3A_789 = arith.constant 0 : i32
      %dma_wait3A_790 = tpu.memref_slice %arg8[%add3A_599, %dma_wait3A_789] : memref<32x128xi32, #tpu.memory_space<vmem>> -> memref<1x128xi32, #tpu.memory_space<vmem>>
      %dma_wait3A_791 = tpu.memref_squeeze %dma_wait3A_790 : memref<1x128xi32, #tpu.memory_space<vmem>> -> memref<128xi32, #tpu.memory_space<vmem>>
      %dma_wait3A_792 = arith.constant 0 : i32
      %dma_wait3A_793 = tpu.memref_slice %arg16[%dma_wait3A_792] : memref<1024xf32, #tpu.memory_space<vmem_shared>> -> memref<1024xf32, #tpu.memory_space<vmem_shared>>
      %dma_wait3A_794 = tpu.memref_slice %arg20[%dma_wait3A_788] : memref<6x!tpu.dma_semaphore, #tpu.memory_space<semaphore_mem>> -> memref<1x!tpu.dma_semaphore, #tpu.memory_space<semaphore_mem>>
      %dma_wait3A_795 = tpu.memref_squeeze %dma_wait3A_794 : memref<1x!tpu.dma_semaphore, #tpu.memory_space<semaphore_mem>> -> memref<!tpu.dma_semaphore, #tpu.memory_space<semaphore_mem>>
      tpu.wait_indirect_dma semaphore(%dma_wait3A_795 : memref<!tpu.dma_semaphore, #tpu.memory_space<semaphore_mem>>) src(%arg10 : memref<128xf32, #tpu.memory_space<vmem>>) dst(%dma_wait3A_793 : memref<1024xf32, #tpu.memory_space<vmem_shared>>)
      %add3A_796 = arith.constant 6 : i32
      %add3A_797 = arith.addi %add3A_381, %add3A_796 : i32
      %add3A_798 = arith.constant 5 : i32
      %add3A_799 = arith.addi %add3A_797, %add3A_798 : i32
      %lt3A_800 = arith.constant 32 : i32
      %lt3A_801 = arith.cmpi slt, %add3A_799, %lt3A_800 : i32
      %convert_element_type3A_802 = arith.extui %lt3A_801 : i1 to i32
      %cond3A_803 = arith.constant 0 : i32
      %cond3A_804 = arith.cmpi ne, %convert_element_type3A_802, %cond3A_803 : i32
      scf.if %cond3A_804 {
        %add3A_805 = arith.constant 6 : i32
        %add3A_806 = arith.addi %add3A_381, %add3A_805 : i32
        %add3A_807 = arith.constant 5 : i32
        %add3A_808 = arith.addi %add3A_806, %add3A_807 : i32
        %mul3A_809 = arith.constant 128 : i32
        %mul3A_810 = arith.muli %add3A_808, %mul3A_809 : i32
        %add3A_811 = arith.addi %mul3A_2, %mul3A_810 : i32
        %dma_start3A_812 = arith.constant 5 : i32
        %dma_start3A_813 = arith.constant 5 : i32
        %dma_start3A_814 = arith.constant 0 : i32
        %dma_start3A_815 = arith.constant 0 : i32
        %dma_start3A_816 = tpu.memref_slice %arg9[%dma_start3A_812, %dma_start3A_814, %dma_start3A_815] : memref<6x128x128xf32, #tpu.memory_space<vmem>> -> memref<1x128x128xf32, #tpu.memory_space<vmem>>
        %dma_start3A_817 = tpu.memref_squeeze %dma_start3A_816 : memref<1x128x128xf32, #tpu.memory_space<vmem>> -> memref<128x128xf32, #tpu.memory_space<vmem>>
        %dma_start3A_818 = arith.constant 0 : i32
        %dma_start3A_819 = tpu.memref_slice %arg2[%add3A_811, %dma_start3A_818] : memref<131072x128xf32, #tpu.memory_space<hbm>> -> memref<128x128xf32, #tpu.memory_space<hbm>>
        %dma_start3A_820 = tpu.memref_slice %arg19[%dma_start3A_813] : memref<6x!tpu.dma_semaphore, #tpu.memory_space<semaphore_mem>> -> memref<1x!tpu.dma_semaphore, #tpu.memory_space<semaphore_mem>>
        %dma_start3A_821 = tpu.memref_squeeze %dma_start3A_820 : memref<1x!tpu.dma_semaphore, #tpu.memory_space<semaphore_mem>> -> memref<!tpu.dma_semaphore, #tpu.memory_space<semaphore_mem>>
        %dma_start3A_822 = arith.constant 0 : i32
        %dma_start3A_823 = arith.constant 0 : i32
        %dma_start3A_824 = tpu.memref_slice %arg9[%dma_start3A_812, %dma_start3A_822, %dma_start3A_823] : memref<6x128x128xf32, #tpu.memory_space<vmem>> -> memref<1x128x128xf32, #tpu.memory_space<vmem>>
        %dma_start3A_825 = tpu.memref_squeeze %dma_start3A_824 : memref<1x128x128xf32, #tpu.memory_space<vmem>> -> memref<128x128xf32, #tpu.memory_space<vmem>>
        %dma_start3A_826 = arith.constant 0 : i32
        %dma_start3A_827 = tpu.memref_slice %arg2[%add3A_811, %dma_start3A_826] : memref<131072x128xf32, #tpu.memory_space<hbm>> -> memref<128x128xf32, #tpu.memory_space<hbm>>
        tpu.enqueue_dma source(%dma_start3A_827 : memref<128x128xf32, #tpu.memory_space<hbm>>) target(%dma_start3A_825 : memref<128x128xf32, #tpu.memory_space<vmem>>) target_semaphore(%dma_start3A_821 : memref<!tpu.dma_semaphore, #tpu.memory_space<semaphore_mem>>)
      } else {
      }
    }
    %scan3A_202 = arith.constant 5 : i32
    %dma_wait3A_203 = arith.constant 0 : i32
    %dma_wait3A_204 = arith.constant 0 : i32
    %dma_wait3A_205 = arith.constant 0 : i32
    %dma_wait3A_206 = arith.constant 0 : i32
    %dma_wait3A_207 = tpu.memref_slice %arg9[%dma_wait3A_203, %dma_wait3A_205, %dma_wait3A_206] : memref<6x128x128xf32, #tpu.memory_space<vmem>> -> memref<1x128x128xf32, #tpu.memory_space<vmem>>
    %dma_wait3A_208 = tpu.memref_squeeze %dma_wait3A_207 : memref<1x128x128xf32, #tpu.memory_space<vmem>> -> memref<128x128xf32, #tpu.memory_space<vmem>>
    %dma_wait3A_209 = arith.constant 0 : i32
    %dma_wait3A_210 = tpu.memref_slice %arg2[%mul3A_2, %dma_wait3A_209] : memref<131072x128xf32, #tpu.memory_space<hbm>> -> memref<128x128xf32, #tpu.memory_space<hbm>>
    %dma_wait3A_211 = tpu.memref_slice %arg19[%dma_wait3A_204] : memref<6x!tpu.dma_semaphore, #tpu.memory_space<semaphore_mem>> -> memref<1x!tpu.dma_semaphore, #tpu.memory_space<semaphore_mem>>
    %dma_wait3A_212 = tpu.memref_squeeze %dma_wait3A_211 : memref<1x!tpu.dma_semaphore, #tpu.memory_space<semaphore_mem>> -> memref<!tpu.dma_semaphore, #tpu.memory_space<semaphore_mem>>
    %dma_wait3A_213 = arith.constant 0 : i32
    %dma_wait3A_214 = arith.constant 0 : i32
    %dma_wait3A_215 = tpu.memref_slice %arg9[%dma_wait3A_203, %dma_wait3A_213, %dma_wait3A_214] : memref<6x128x128xf32, #tpu.memory_space<vmem>> -> memref<1x128x128xf32, #tpu.memory_space<vmem>>
    %dma_wait3A_216 = tpu.memref_squeeze %dma_wait3A_215 : memref<1x128x128xf32, #tpu.memory_space<vmem>> -> memref<128x128xf32, #tpu.memory_space<vmem>>
    %dma_wait3A_217 = arith.constant 0 : i32
    %dma_wait3A_218 = tpu.memref_slice %arg2[%mul3A_2, %dma_wait3A_217] : memref<131072x128xf32, #tpu.memory_space<hbm>> -> memref<128x128xf32, #tpu.memory_space<hbm>>
    tpu.wait_dma2 semaphore(%dma_wait3A_212 : memref<!tpu.dma_semaphore, #tpu.memory_space<semaphore_mem>>) src(%dma_wait3A_218 : memref<128x128xf32, #tpu.memory_space<hbm>>) dst(%dma_wait3A_216 : memref<128x128xf32, #tpu.memory_space<vmem>>)
    %dma_start3A_219 = arith.constant 0 : i32
    %dma_start3A_220 = arith.constant 30 : i32
    %dma_start3A_221 = arith.constant 0 : i32
    %dma_start3A_222 = arith.constant 0 : i32
    %dma_start3A_223 = arith.constant 0 : i32
    %dma_start3A_224 = tpu.memref_slice %arg9[%dma_start3A_219, %dma_start3A_222, %dma_start3A_223] : memref<6x128x128xf32, #tpu.memory_space<vmem>> -> memref<1x128x128xf32, #tpu.memory_space<vmem>>
    %dma_start3A_225 = tpu.memref_squeeze %dma_start3A_224 : memref<1x128x128xf32, #tpu.memory_space<vmem>> -> memref<128x128xf32, #tpu.memory_space<vmem>>
    %dma_start3A_226 = arith.constant 0 : i32
    %dma_start3A_227 = tpu.memref_slice %arg8[%dma_start3A_220, %dma_start3A_226] : memref<32x128xi32, #tpu.memory_space<vmem>> -> memref<1x128xi32, #tpu.memory_space<vmem>>
    %dma_start3A_228 = tpu.memref_squeeze %dma_start3A_227 : memref<1x128xi32, #tpu.memory_space<vmem>> -> memref<128xi32, #tpu.memory_space<vmem>>
    %dma_start3A_229 = arith.constant 0 : i32
    %dma_start3A_230 = arith.constant 0 : i32
    %dma_start3A_231 = tpu.memref_slice %arg15[%dma_start3A_229, %dma_start3A_230] : memref<1024x128xf32, #tpu.memory_space<vmem_shared>> -> memref<1024x128xf32, #tpu.memory_space<vmem_shared>>
    %dma_start3A_232 = tpu.memref_slice %arg20[%dma_start3A_221] : memref<6x!tpu.dma_semaphore, #tpu.memory_space<semaphore_mem>> -> memref<1x!tpu.dma_semaphore, #tpu.memory_space<semaphore_mem>>
    %dma_start3A_233 = tpu.memref_squeeze %dma_start3A_232 : memref<1x!tpu.dma_semaphore, #tpu.memory_space<semaphore_mem>> -> memref<!tpu.dma_semaphore, #tpu.memory_space<semaphore_mem>>
    tpu.enqueue_indirect_dma source(%dma_start3A_225 : memref<128x128xf32, #tpu.memory_space<vmem>>) target(%dma_start3A_231 : memref<1024x128xf32, #tpu.memory_space<vmem_shared>>) offsets(%dma_start3A_228 : memref<128xi32, #tpu.memory_space<vmem>>) semaphore(%dma_start3A_233 : memref<!tpu.dma_semaphore, #tpu.memory_space<semaphore_mem>>) {add = true}
    %dma_start3A_234 = arith.constant 30 : i32
    %dma_start3A_235 = arith.constant 0 : i32
    %dma_start3A_236 = arith.constant 0 : i32
    %dma_start3A_237 = tpu.memref_slice %arg8[%dma_start3A_234, %dma_start3A_236] : memref<32x128xi32, #tpu.memory_space<vmem>> -> memref<1x128xi32, #tpu.memory_space<vmem>>
    %dma_start3A_238 = tpu.memref_squeeze %dma_start3A_237 : memref<1x128xi32, #tpu.memory_space<vmem>> -> memref<128xi32, #tpu.memory_space<vmem>>
    %dma_start3A_239 = arith.constant 0 : i32
    %dma_start3A_240 = tpu.memref_slice %arg16[%dma_start3A_239] : memref<1024xf32, #tpu.memory_space<vmem_shared>> -> memref<1024xf32, #tpu.memory_space<vmem_shared>>
    %dma_start3A_241 = tpu.memref_slice %arg20[%dma_start3A_235] : memref<6x!tpu.dma_semaphore, #tpu.memory_space<semaphore_mem>> -> memref<1x!tpu.dma_semaphore, #tpu.memory_space<semaphore_mem>>
    %dma_start3A_242 = tpu.memref_squeeze %dma_start3A_241 : memref<1x!tpu.dma_semaphore, #tpu.memory_space<semaphore_mem>> -> memref<!tpu.dma_semaphore, #tpu.memory_space<semaphore_mem>>
    tpu.enqueue_indirect_dma source(%arg10 : memref<128xf32, #tpu.memory_space<vmem>>) target(%dma_start3A_240 : memref<1024xf32, #tpu.memory_space<vmem_shared>>) offsets(%dma_start3A_238 : memref<128xi32, #tpu.memory_space<vmem>>) semaphore(%dma_start3A_242 : memref<!tpu.dma_semaphore, #tpu.memory_space<semaphore_mem>>) {add = true}
    %dma_wait3A_243 = arith.constant 1 : i32
    %dma_wait3A_244 = arith.constant 1 : i32
    %dma_wait3A_245 = arith.constant 0 : i32
    %dma_wait3A_246 = arith.constant 0 : i32
    %dma_wait3A_247 = tpu.memref_slice %arg9[%dma_wait3A_243, %dma_wait3A_245, %dma_wait3A_246] : memref<6x128x128xf32, #tpu.memory_space<vmem>> -> memref<1x128x128xf32, #tpu.memory_space<vmem>>
    %dma_wait3A_248 = tpu.memref_squeeze %dma_wait3A_247 : memref<1x128x128xf32, #tpu.memory_space<vmem>> -> memref<128x128xf32, #tpu.memory_space<vmem>>
    %dma_wait3A_249 = arith.constant 0 : i32
    %dma_wait3A_250 = tpu.memref_slice %arg2[%mul3A_2, %dma_wait3A_249] : memref<131072x128xf32, #tpu.memory_space<hbm>> -> memref<128x128xf32, #tpu.memory_space<hbm>>
    %dma_wait3A_251 = tpu.memref_slice %arg19[%dma_wait3A_244] : memref<6x!tpu.dma_semaphore, #tpu.memory_space<semaphore_mem>> -> memref<1x!tpu.dma_semaphore, #tpu.memory_space<semaphore_mem>>
    %dma_wait3A_252 = tpu.memref_squeeze %dma_wait3A_251 : memref<1x!tpu.dma_semaphore, #tpu.memory_space<semaphore_mem>> -> memref<!tpu.dma_semaphore, #tpu.memory_space<semaphore_mem>>
    %dma_wait3A_253 = arith.constant 0 : i32
    %dma_wait3A_254 = arith.constant 0 : i32
    %dma_wait3A_255 = tpu.memref_slice %arg9[%dma_wait3A_243, %dma_wait3A_253, %dma_wait3A_254] : memref<6x128x128xf32, #tpu.memory_space<vmem>> -> memref<1x128x128xf32, #tpu.memory_space<vmem>>
    %dma_wait3A_256 = tpu.memref_squeeze %dma_wait3A_255 : memref<1x128x128xf32, #tpu.memory_space<vmem>> -> memref<128x128xf32, #tpu.memory_space<vmem>>
    %dma_wait3A_257 = arith.constant 0 : i32
    %dma_wait3A_258 = tpu.memref_slice %arg2[%mul3A_2, %dma_wait3A_257] : memref<131072x128xf32, #tpu.memory_space<hbm>> -> memref<128x128xf32, #tpu.memory_space<hbm>>
    tpu.wait_dma2 semaphore(%dma_wait3A_252 : memref<!tpu.dma_semaphore, #tpu.memory_space<semaphore_mem>>) src(%dma_wait3A_258 : memref<128x128xf32, #tpu.memory_space<hbm>>) dst(%dma_wait3A_256 : memref<128x128xf32, #tpu.memory_space<vmem>>)
    %dma_start3A_259 = arith.constant 1 : i32
    %dma_start3A_260 = arith.constant 31 : i32
    %dma_start3A_261 = arith.constant 1 : i32
    %dma_start3A_262 = arith.constant 0 : i32
    %dma_start3A_263 = arith.constant 0 : i32
    %dma_start3A_264 = tpu.memref_slice %arg9[%dma_start3A_259, %dma_start3A_262, %dma_start3A_263] : memref<6x128x128xf32, #tpu.memory_space<vmem>> -> memref<1x128x128xf32, #tpu.memory_space<vmem>>
    %dma_start3A_265 = tpu.memref_squeeze %dma_start3A_264 : memref<1x128x128xf32, #tpu.memory_space<vmem>> -> memref<128x128xf32, #tpu.memory_space<vmem>>
    %dma_start3A_266 = arith.constant 0 : i32
    %dma_start3A_267 = tpu.memref_slice %arg8[%dma_start3A_260, %dma_start3A_266] : memref<32x128xi32, #tpu.memory_space<vmem>> -> memref<1x128xi32, #tpu.memory_space<vmem>>
    %dma_start3A_268 = tpu.memref_squeeze %dma_start3A_267 : memref<1x128xi32, #tpu.memory_space<vmem>> -> memref<128xi32, #tpu.memory_space<vmem>>
    %dma_start3A_269 = arith.constant 0 : i32
    %dma_start3A_270 = arith.constant 0 : i32
    %dma_start3A_271 = tpu.memref_slice %arg15[%dma_start3A_269, %dma_start3A_270] : memref<1024x128xf32, #tpu.memory_space<vmem_shared>> -> memref<1024x128xf32, #tpu.memory_space<vmem_shared>>
    %dma_start3A_272 = tpu.memref_slice %arg20[%dma_start3A_261] : memref<6x!tpu.dma_semaphore, #tpu.memory_space<semaphore_mem>> -> memref<1x!tpu.dma_semaphore, #tpu.memory_space<semaphore_mem>>
    %dma_start3A_273 = tpu.memref_squeeze %dma_start3A_272 : memref<1x!tpu.dma_semaphore, #tpu.memory_space<semaphore_mem>> -> memref<!tpu.dma_semaphore, #tpu.memory_space<semaphore_mem>>
    tpu.enqueue_indirect_dma source(%dma_start3A_265 : memref<128x128xf32, #tpu.memory_space<vmem>>) target(%dma_start3A_271 : memref<1024x128xf32, #tpu.memory_space<vmem_shared>>) offsets(%dma_start3A_268 : memref<128xi32, #tpu.memory_space<vmem>>) semaphore(%dma_start3A_273 : memref<!tpu.dma_semaphore, #tpu.memory_space<semaphore_mem>>) {add = true}
    %dma_start3A_274 = arith.constant 31 : i32
    %dma_start3A_275 = arith.constant 1 : i32
    %dma_start3A_276 = arith.constant 0 : i32
    %dma_start3A_277 = tpu.memref_slice %arg8[%dma_start3A_274, %dma_start3A_276] : memref<32x128xi32, #tpu.memory_space<vmem>> -> memref<1x128xi32, #tpu.memory_space<vmem>>
    %dma_start3A_278 = tpu.memref_squeeze %dma_start3A_277 : memref<1x128xi32, #tpu.memory_space<vmem>> -> memref<128xi32, #tpu.memory_space<vmem>>
    %dma_start3A_279 = arith.constant 0 : i32
    %dma_start3A_280 = tpu.memref_slice %arg16[%dma_start3A_279] : memref<1024xf32, #tpu.memory_space<vmem_shared>> -> memref<1024xf32, #tpu.memory_space<vmem_shared>>
    %dma_start3A_281 = tpu.memref_slice %arg20[%dma_start3A_275] : memref<6x!tpu.dma_semaphore, #tpu.memory_space<semaphore_mem>> -> memref<1x!tpu.dma_semaphore, #tpu.memory_space<semaphore_mem>>
    %dma_start3A_282 = tpu.memref_squeeze %dma_start3A_281 : memref<1x!tpu.dma_semaphore, #tpu.memory_space<semaphore_mem>> -> memref<!tpu.dma_semaphore, #tpu.memory_space<semaphore_mem>>
    tpu.enqueue_indirect_dma source(%arg10 : memref<128xf32, #tpu.memory_space<vmem>>) target(%dma_start3A_280 : memref<1024xf32, #tpu.memory_space<vmem_shared>>) offsets(%dma_start3A_278 : memref<128xi32, #tpu.memory_space<vmem>>) semaphore(%dma_start3A_282 : memref<!tpu.dma_semaphore, #tpu.memory_space<semaphore_mem>>) {add = true}
    %dma_wait3A_283 = arith.constant 0 : i32
    %dma_wait3A_284 = arith.constant 30 : i32
    %dma_wait3A_285 = arith.constant 0 : i32
    %dma_wait3A_286 = arith.constant 0 : i32
    %dma_wait3A_287 = arith.constant 0 : i32
    %dma_wait3A_288 = tpu.memref_slice %arg9[%dma_wait3A_283, %dma_wait3A_286, %dma_wait3A_287] : memref<6x128x128xf32, #tpu.memory_space<vmem>> -> memref<1x128x128xf32, #tpu.memory_space<vmem>>
    %dma_wait3A_289 = tpu.memref_squeeze %dma_wait3A_288 : memref<1x128x128xf32, #tpu.memory_space<vmem>> -> memref<128x128xf32, #tpu.memory_space<vmem>>
    %dma_wait3A_290 = arith.constant 0 : i32
    %dma_wait3A_291 = tpu.memref_slice %arg8[%dma_wait3A_284, %dma_wait3A_290] : memref<32x128xi32, #tpu.memory_space<vmem>> -> memref<1x128xi32, #tpu.memory_space<vmem>>
    %dma_wait3A_292 = tpu.memref_squeeze %dma_wait3A_291 : memref<1x128xi32, #tpu.memory_space<vmem>> -> memref<128xi32, #tpu.memory_space<vmem>>
    %dma_wait3A_293 = arith.constant 0 : i32
    %dma_wait3A_294 = arith.constant 0 : i32
    %dma_wait3A_295 = tpu.memref_slice %arg15[%dma_wait3A_293, %dma_wait3A_294] : memref<1024x128xf32, #tpu.memory_space<vmem_shared>> -> memref<1024x128xf32, #tpu.memory_space<vmem_shared>>
    %dma_wait3A_296 = tpu.memref_slice %arg20[%dma_wait3A_285] : memref<6x!tpu.dma_semaphore, #tpu.memory_space<semaphore_mem>> -> memref<1x!tpu.dma_semaphore, #tpu.memory_space<semaphore_mem>>
    %dma_wait3A_297 = tpu.memref_squeeze %dma_wait3A_296 : memref<1x!tpu.dma_semaphore, #tpu.memory_space<semaphore_mem>> -> memref<!tpu.dma_semaphore, #tpu.memory_space<semaphore_mem>>
    tpu.wait_indirect_dma semaphore(%dma_wait3A_297 : memref<!tpu.dma_semaphore, #tpu.memory_space<semaphore_mem>>) src(%dma_wait3A_289 : memref<128x128xf32, #tpu.memory_space<vmem>>) dst(%dma_wait3A_295 : memref<1024x128xf32, #tpu.memory_space<vmem_shared>>)
    %dma_wait3A_298 = arith.constant 30 : i32
    %dma_wait3A_299 = arith.constant 0 : i32
    %dma_wait3A_300 = arith.constant 0 : i32
    %dma_wait3A_301 = tpu.memref_slice %arg8[%dma_wait3A_298, %dma_wait3A_300] : memref<32x128xi32, #tpu.memory_space<vmem>> -> memref<1x128xi32, #tpu.memory_space<vmem>>
    %dma_wait3A_302 = tpu.memref_squeeze %dma_wait3A_301 : memref<1x128xi32, #tpu.memory_space<vmem>> -> memref<128xi32, #tpu.memory_space<vmem>>
    %dma_wait3A_303 = arith.constant 0 : i32
    %dma_wait3A_304 = tpu.memref_slice %arg16[%dma_wait3A_303] : memref<1024xf32, #tpu.memory_space<vmem_shared>> -> memref<1024xf32, #tpu.memory_space<vmem_shared>>
    %dma_wait3A_305 = tpu.memref_slice %arg20[%dma_wait3A_299] : memref<6x!tpu.dma_semaphore, #tpu.memory_space<semaphore_mem>> -> memref<1x!tpu.dma_semaphore, #tpu.memory_space<semaphore_mem>>
    %dma_wait3A_306 = tpu.memref_squeeze %dma_wait3A_305 : memref<1x!tpu.dma_semaphore, #tpu.memory_space<semaphore_mem>> -> memref<!tpu.dma_semaphore, #tpu.memory_space<semaphore_mem>>
    tpu.wait_indirect_dma semaphore(%dma_wait3A_306 : memref<!tpu.dma_semaphore, #tpu.memory_space<semaphore_mem>>) src(%arg10 : memref<128xf32, #tpu.memory_space<vmem>>) dst(%dma_wait3A_304 : memref<1024xf32, #tpu.memory_space<vmem_shared>>)
    %dma_wait3A_307 = arith.constant 1 : i32
    %dma_wait3A_308 = arith.constant 31 : i32
    %dma_wait3A_309 = arith.constant 1 : i32
    %dma_wait3A_310 = arith.constant 0 : i32
    %dma_wait3A_311 = arith.constant 0 : i32
    %dma_wait3A_312 = tpu.memref_slice %arg9[%dma_wait3A_307, %dma_wait3A_310, %dma_wait3A_311] : memref<6x128x128xf32, #tpu.memory_space<vmem>> -> memref<1x128x128xf32, #tpu.memory_space<vmem>>
    %dma_wait3A_313 = tpu.memref_squeeze %dma_wait3A_312 : memref<1x128x128xf32, #tpu.memory_space<vmem>> -> memref<128x128xf32, #tpu.memory_space<vmem>>
    %dma_wait3A_314 = arith.constant 0 : i32
    %dma_wait3A_315 = tpu.memref_slice %arg8[%dma_wait3A_308, %dma_wait3A_314] : memref<32x128xi32, #tpu.memory_space<vmem>> -> memref<1x128xi32, #tpu.memory_space<vmem>>
    %dma_wait3A_316 = tpu.memref_squeeze %dma_wait3A_315 : memref<1x128xi32, #tpu.memory_space<vmem>> -> memref<128xi32, #tpu.memory_space<vmem>>
    %dma_wait3A_317 = arith.constant 0 : i32
    %dma_wait3A_318 = arith.constant 0 : i32
    %dma_wait3A_319 = tpu.memref_slice %arg15[%dma_wait3A_317, %dma_wait3A_318] : memref<1024x128xf32, #tpu.memory_space<vmem_shared>> -> memref<1024x128xf32, #tpu.memory_space<vmem_shared>>
    %dma_wait3A_320 = tpu.memref_slice %arg20[%dma_wait3A_309] : memref<6x!tpu.dma_semaphore, #tpu.memory_space<semaphore_mem>> -> memref<1x!tpu.dma_semaphore, #tpu.memory_space<semaphore_mem>>
    %dma_wait3A_321 = tpu.memref_squeeze %dma_wait3A_320 : memref<1x!tpu.dma_semaphore, #tpu.memory_space<semaphore_mem>> -> memref<!tpu.dma_semaphore, #tpu.memory_space<semaphore_mem>>
    tpu.wait_indirect_dma semaphore(%dma_wait3A_321 : memref<!tpu.dma_semaphore, #tpu.memory_space<semaphore_mem>>) src(%dma_wait3A_313 : memref<128x128xf32, #tpu.memory_space<vmem>>) dst(%dma_wait3A_319 : memref<1024x128xf32, #tpu.memory_space<vmem_shared>>)
    %dma_wait3A_322 = arith.constant 31 : i32
    %dma_wait3A_323 = arith.constant 1 : i32
    %dma_wait3A_324 = arith.constant 0 : i32
    %dma_wait3A_325 = tpu.memref_slice %arg8[%dma_wait3A_322, %dma_wait3A_324] : memref<32x128xi32, #tpu.memory_space<vmem>> -> memref<1x128xi32, #tpu.memory_space<vmem>>
    %dma_wait3A_326 = tpu.memref_squeeze %dma_wait3A_325 : memref<1x128xi32, #tpu.memory_space<vmem>> -> memref<128xi32, #tpu.memory_space<vmem>>
    %dma_wait3A_327 = arith.constant 0 : i32
    %dma_wait3A_328 = tpu.memref_slice %arg16[%dma_wait3A_327] : memref<1024xf32, #tpu.memory_space<vmem_shared>> -> memref<1024xf32, #tpu.memory_space<vmem_shared>>
    %dma_wait3A_329 = tpu.memref_slice %arg20[%dma_wait3A_323] : memref<6x!tpu.dma_semaphore, #tpu.memory_space<semaphore_mem>> -> memref<1x!tpu.dma_semaphore, #tpu.memory_space<semaphore_mem>>
    %dma_wait3A_330 = tpu.memref_squeeze %dma_wait3A_329 : memref<1x!tpu.dma_semaphore, #tpu.memory_space<semaphore_mem>> -> memref<!tpu.dma_semaphore, #tpu.memory_space<semaphore_mem>>
    tpu.wait_indirect_dma semaphore(%dma_wait3A_330 : memref<!tpu.dma_semaphore, #tpu.memory_space<semaphore_mem>>) src(%arg10 : memref<128xf32, #tpu.memory_space<vmem>>) dst(%dma_wait3A_328 : memref<1024xf32, #tpu.memory_space<vmem_shared>>)
    %dma_wait3A_331 = arith.constant 0 : i32
    %dma_wait3A_332 = arith.constant 0 : i32
    %dma_wait3A_333 = tpu.memref_slice %arg2[%dma_wait3A_331, %dma_wait3A_332] : memref<131072x128xf32, #tpu.memory_space<hbm>> -> memref<131072x128xf32, #tpu.memory_space<hbm>>
    tpu.wait_indirect_dma semaphore(%arg17 : memref<!tpu.dma_semaphore, #tpu.memory_space<semaphore_mem>>) src(%dma_wait3A_333 : memref<131072x128xf32, #tpu.memory_space<hbm>>) dst(%arg12 : memref<32x128xf32, #tpu.memory_space<vmem>>)
    %mul3A_334 = arith.constant 32 : i32
    %mul3A_335 = arith.muli %add3A, %mul3A_334 : i32
    "tpu.region"() ({
      %run_scoped3A = tpu.sem_alloc : memref<!tpu.dma_semaphore, #tpu.memory_space<semaphore_mem>>
      %dma_start3A_377 = arith.constant 0 : i32
      %dma_start3A_378 = tpu.memref_slice %arg7[%mul3A_335, %dma_start3A_377] : memref<1024x128xf32, #tpu.memory_space<hbm>> -> memref<32x128xf32, #tpu.memory_space<hbm>>
      %dma_start3A_379 = arith.constant 0 : i32
      %dma_start3A_380 = tpu.memref_slice %arg7[%mul3A_335, %dma_start3A_379] : memref<1024x128xf32, #tpu.memory_space<hbm>> -> memref<32x128xf32, #tpu.memory_space<hbm>>
      tpu.enqueue_dma source(%arg12 : memref<32x128xf32, #tpu.memory_space<vmem>>) target(%dma_start3A_380 : memref<32x128xf32, #tpu.memory_space<hbm>>) target_semaphore(%run_scoped3A : memref<!tpu.dma_semaphore, #tpu.memory_space<semaphore_mem>>)
      %dma_wait3A_381 = arith.constant 0 : i32
      %dma_wait3A_382 = tpu.memref_slice %arg7[%mul3A_335, %dma_wait3A_381] : memref<1024x128xf32, #tpu.memory_space<hbm>> -> memref<32x128xf32, #tpu.memory_space<hbm>>
      %dma_wait3A_383 = arith.constant 0 : i32
      %dma_wait3A_384 = tpu.memref_slice %arg7[%mul3A_335, %dma_wait3A_383] : memref<1024x128xf32, #tpu.memory_space<hbm>> -> memref<32x128xf32, #tpu.memory_space<hbm>>
      tpu.wait_dma2 semaphore(%run_scoped3A : memref<!tpu.dma_semaphore, #tpu.memory_space<semaphore_mem>>) src(%arg12 : memref<32x128xf32, #tpu.memory_space<vmem>>) dst(%dma_wait3A_384 : memref<32x128xf32, #tpu.memory_space<hbm>>)
      tpu.yield
    }) : () -> ()
    %barrier3A_336 = arith.constant 0 : index
    tpu.barrier barrier_id(%barrier3A_336)
    %mul3A_337 = arith.constant 64 : i32
    %mul3A_338 = arith.muli %arg1, %mul3A_337 : i32
    %dma_start3A_339 = arith.constant 0 : i32
    %dma_start3A_340 = tpu.memref_slice %arg15[%mul3A_338, %dma_start3A_339] : memref<1024x128xf32, #tpu.memory_space<vmem_shared>> -> memref<64x128xf32, #tpu.memory_space<vmem_shared>>
    %dma_start3A_341 = arith.constant 0 : i32
    %dma_start3A_342 = tpu.memref_slice %arg15[%mul3A_338, %dma_start3A_341] : memref<1024x128xf32, #tpu.memory_space<vmem_shared>> -> memref<64x128xf32, #tpu.memory_space<vmem_shared>>
    tpu.enqueue_dma source(%dma_start3A_342 : memref<64x128xf32, #tpu.memory_space<vmem_shared>>) target(%arg13 : memref<64x128xf32, #tpu.memory_space<vmem>>) target_semaphore(%arg18 : memref<!tpu.dma_semaphore, #tpu.memory_space<semaphore_mem>>)
    %mul3A_343 = arith.constant 64 : i32
    %mul3A_344 = arith.muli %arg1, %mul3A_343 : i32
    %dma_start3A_345 = tpu.memref_slice %arg16[%mul3A_344] : memref<1024xf32, #tpu.memory_space<vmem_shared>> -> memref<64xf32, #tpu.memory_space<vmem_shared>>
    %dma_start3A_346 = tpu.memref_slice %arg16[%mul3A_344] : memref<1024xf32, #tpu.memory_space<vmem_shared>> -> memref<64xf32, #tpu.memory_space<vmem_shared>>
    tpu.enqueue_dma source(%dma_start3A_346 : memref<64xf32, #tpu.memory_space<vmem_shared>>) target(%arg14 : memref<64xf32, #tpu.memory_space<vmem>>) target_semaphore(%arg18 : memref<!tpu.dma_semaphore, #tpu.memory_space<semaphore_mem>>)
    %dma_wait3A_347 = arith.constant 0 : i32
    %dma_wait3A_348 = tpu.memref_slice %arg15[%mul3A_338, %dma_wait3A_347] : memref<1024x128xf32, #tpu.memory_space<vmem_shared>> -> memref<64x128xf32, #tpu.memory_space<vmem_shared>>
    %dma_wait3A_349 = arith.constant 0 : i32
    %dma_wait3A_350 = tpu.memref_slice %arg15[%mul3A_338, %dma_wait3A_349] : memref<1024x128xf32, #tpu.memory_space<vmem_shared>> -> memref<64x128xf32, #tpu.memory_space<vmem_shared>>
    tpu.wait_dma2 semaphore(%arg18 : memref<!tpu.dma_semaphore, #tpu.memory_space<semaphore_mem>>) src(%dma_wait3A_350 : memref<64x128xf32, #tpu.memory_space<vmem_shared>>) dst(%arg13 : memref<64x128xf32, #tpu.memory_space<vmem>>)
    %dma_wait3A_351 = tpu.memref_slice %arg16[%mul3A_344] : memref<1024xf32, #tpu.memory_space<vmem_shared>> -> memref<64xf32, #tpu.memory_space<vmem_shared>>
    %dma_wait3A_352 = tpu.memref_slice %arg16[%mul3A_344] : memref<1024xf32, #tpu.memory_space<vmem_shared>> -> memref<64xf32, #tpu.memory_space<vmem_shared>>
    tpu.wait_dma2 semaphore(%arg18 : memref<!tpu.dma_semaphore, #tpu.memory_space<semaphore_mem>>) src(%dma_wait3A_352 : memref<64xf32, #tpu.memory_space<vmem_shared>>) dst(%arg14 : memref<64xf32, #tpu.memory_space<vmem>>)
    %mul3A_353 = arith.constant 64 : i32
    %mul3A_354 = arith.muli %arg1, %mul3A_353 : i32
    %dma_start3A_355 = arith.constant 0 : i32
    %dma_start3A_356 = tpu.memref_slice %arg5[%arg0, %mul3A_354, %dma_start3A_355] : memref<2x1024x128xf32, #tpu.memory_space<hbm>> -> memref<1x64x128xf32, #tpu.memory_space<hbm>>
    %dma_start3A_357 = tpu.memref_squeeze %dma_start3A_356 : memref<1x64x128xf32, #tpu.memory_space<hbm>> -> memref<64x128xf32, #tpu.memory_space<hbm>>
    %dma_start3A_358 = arith.constant 0 : i32
    %dma_start3A_359 = tpu.memref_slice %arg5[%arg0, %mul3A_354, %dma_start3A_358] : memref<2x1024x128xf32, #tpu.memory_space<hbm>> -> memref<1x64x128xf32, #tpu.memory_space<hbm>>
    %dma_start3A_360 = tpu.memref_squeeze %dma_start3A_359 : memref<1x64x128xf32, #tpu.memory_space<hbm>> -> memref<64x128xf32, #tpu.memory_space<hbm>>
    tpu.enqueue_dma source(%arg13 : memref<64x128xf32, #tpu.memory_space<vmem>>) target(%dma_start3A_360 : memref<64x128xf32, #tpu.memory_space<hbm>>) target_semaphore(%arg18 : memref<!tpu.dma_semaphore, #tpu.memory_space<semaphore_mem>>)
    %mul3A_361 = arith.constant 64 : i32
    %mul3A_362 = arith.muli %arg1, %mul3A_361 : i32
    %dma_start3A_363 = tpu.memref_slice %arg6[%arg0, %mul3A_362] : memref<2x1024xf32, #tpu.memory_space<hbm>> -> memref<1x64xf32, #tpu.memory_space<hbm>>
    %dma_start3A_364 = tpu.memref_squeeze %dma_start3A_363 : memref<1x64xf32, #tpu.memory_space<hbm>> -> memref<64xf32, #tpu.memory_space<hbm>>
    %dma_start3A_365 = tpu.memref_slice %arg6[%arg0, %mul3A_362] : memref<2x1024xf32, #tpu.memory_space<hbm>> -> memref<1x64xf32, #tpu.memory_space<hbm>>
    %dma_start3A_366 = tpu.memref_squeeze %dma_start3A_365 : memref<1x64xf32, #tpu.memory_space<hbm>> -> memref<64xf32, #tpu.memory_space<hbm>>
    tpu.enqueue_dma source(%arg14 : memref<64xf32, #tpu.memory_space<vmem>>) target(%dma_start3A_366 : memref<64xf32, #tpu.memory_space<hbm>>) target_semaphore(%arg18 : memref<!tpu.dma_semaphore, #tpu.memory_space<semaphore_mem>>)
    %dma_wait3A_367 = arith.constant 0 : i32
    %dma_wait3A_368 = tpu.memref_slice %arg5[%arg0, %mul3A_354, %dma_wait3A_367] : memref<2x1024x128xf32, #tpu.memory_space<hbm>> -> memref<1x64x128xf32, #tpu.memory_space<hbm>>
    %dma_wait3A_369 = tpu.memref_squeeze %dma_wait3A_368 : memref<1x64x128xf32, #tpu.memory_space<hbm>> -> memref<64x128xf32, #tpu.memory_space<hbm>>
    %dma_wait3A_370 = arith.constant 0 : i32
    %dma_wait3A_371 = tpu.memref_slice %arg5[%arg0, %mul3A_354, %dma_wait3A_370] : memref<2x1024x128xf32, #tpu.memory_space<hbm>> -> memref<1x64x128xf32, #tpu.memory_space<hbm>>
    %dma_wait3A_372 = tpu.memref_squeeze %dma_wait3A_371 : memref<1x64x128xf32, #tpu.memory_space<hbm>> -> memref<64x128xf32, #tpu.memory_space<hbm>>
    tpu.wait_dma2 semaphore(%arg18 : memref<!tpu.dma_semaphore, #tpu.memory_space<semaphore_mem>>) src(%arg13 : memref<64x128xf32, #tpu.memory_space<vmem>>) dst(%dma_wait3A_372 : memref<64x128xf32, #tpu.memory_space<hbm>>)
    %dma_wait3A_373 = tpu.memref_slice %arg6[%arg0, %mul3A_362] : memref<2x1024xf32, #tpu.memory_space<hbm>> -> memref<1x64xf32, #tpu.memory_space<hbm>>
    %dma_wait3A_374 = tpu.memref_squeeze %dma_wait3A_373 : memref<1x64xf32, #tpu.memory_space<hbm>> -> memref<64xf32, #tpu.memory_space<hbm>>
    %dma_wait3A_375 = tpu.memref_slice %arg6[%arg0, %mul3A_362] : memref<2x1024xf32, #tpu.memory_space<hbm>> -> memref<1x64xf32, #tpu.memory_space<hbm>>
    %dma_wait3A_376 = tpu.memref_squeeze %dma_wait3A_375 : memref<1x64xf32, #tpu.memory_space<hbm>> -> memref<64xf32, #tpu.memory_space<hbm>>
    tpu.wait_dma2 semaphore(%arg18 : memref<!tpu.dma_semaphore, #tpu.memory_space<semaphore_mem>>) src(%arg14 : memref<64xf32, #tpu.memory_space<vmem>>) dst(%dma_wait3A_376 : memref<64xf32, #tpu.memory_space<hbm>>)
    return
  }
}

module attributes {stable_mosaic.version = 14 : i64} {
  func.func @_tc_head(%arg0: memref<2x1024x128xf32, #tpu.memory_space<vmem>>, %arg1: memref<2x1024xf32, #tpu.memory_space<vmem>>, %arg2: memref<1024x128xf32, #tpu.memory_space<vmem>>, %arg3: memref<1x256xf32, #tpu.memory_space<vmem>>, %arg4: memref<1x256xf32, #tpu.memory_space<vmem>>, %arg5: memref<256x128xf32, #tpu.memory_space<vmem>>, %arg6: memref<1x128xf32, #tpu.memory_space<vmem>>, %arg7: memref<128x128xf32, #tpu.memory_space<vmem>>, %arg8: memref<1x128xf32, #tpu.memory_space<vmem>>, %arg9: memref<1024x128xf32, #tpu.memory_space<vmem>>) attributes {dimension_semantics = [], scalar_prefetch = 0 : i64, scratch_operands = 0 : i64, tpu.core_type = #tpu.core_type<tc>} {
    %get3A = arith.constant 0 : index
    %get3A_0 = arith.constant 0 : index
    %get3A_1 = arith.constant 0 : index
    %get3A_2 = vector.load %arg0[%get3A, %get3A_0, %get3A_1] : memref<2x1024x128xf32, #tpu.memory_space<vmem>>, vector<2x1024x128xf32>
    %slice3A = vector.extract_strided_slice %get3A_2 {offsets = [0, 0, 0], sizes = [1, 1024, 128], strides = [1, 1, 1]} : vector<2x1024x128xf32> to vector<1x1024x128xf32>
    %squeeze3A = vector.shape_cast %slice3A : vector<1x1024x128xf32> to vector<1024x128xf32>
    %slice3A_3 = vector.extract_strided_slice %get3A_2 {offsets = [1, 0, 0], sizes = [1, 1024, 128], strides = [1, 1, 1]} : vector<2x1024x128xf32> to vector<1x1024x128xf32>
    %squeeze3A_4 = vector.shape_cast %slice3A_3 : vector<1x1024x128xf32> to vector<1024x128xf32>
    %add3A = arith.addf %squeeze3A, %squeeze3A_4 : vector<1024x128xf32>
    %get3A_5 = arith.constant 0 : index
    %get3A_6 = arith.constant 0 : index
    %get3A_7 = vector.load %arg1[%get3A_5, %get3A_6] : memref<2x1024xf32, #tpu.memory_space<vmem>>, vector<2x1024xf32>
    %slice3A_8 = vector.extract_strided_slice %get3A_7 {offsets = [0, 0], sizes = [1, 1024], strides = [1, 1]} : vector<2x1024xf32> to vector<1x1024xf32>
    %squeeze3A_9 = vector.shape_cast %slice3A_8 : vector<1x1024xf32> to vector<1024xf32>
    %slice3A_10 = vector.extract_strided_slice %get3A_7 {offsets = [1, 0], sizes = [1, 1024], strides = [1, 1]} : vector<2x1024xf32> to vector<1x1024xf32>
    %squeeze3A_11 = vector.shape_cast %slice3A_10 : vector<1x1024xf32> to vector<1024xf32>
    %add3A_12 = arith.addf %squeeze3A_9, %squeeze3A_11 : vector<1024xf32>
    %reshape3A = vector.shape_cast %add3A_12 : vector<1024xf32> to vector<8x128xf32>
    %max3A = arith.constant 1.000000e+00 : f32
    %max3A_13 = vector.broadcast %max3A : f32 to vector<8x128xf32>
    %max3A_14 = arith.maximumf %reshape3A, %max3A_13 : vector<8x128xf32>
    %div3A = arith.constant 1.000000e+00 : f32
    %div3A_15 = vector.broadcast %div3A : f32 to vector<8x128xf32>
    %div3A_16 = arith.divf %div3A_15, %max3A_14 : vector<8x128xf32>
    %reshape3A_17 = vector.shape_cast %add3A : vector<1024x128xf32> to vector<8x128x128xf32>
    %broadcast_in_dim3A = vector.shape_cast %div3A_16 : vector<8x128xf32> to vector<8x128x1xf32>
    %mul3A = vector.broadcast %broadcast_in_dim3A : vector<8x128x1xf32> to vector<8x128x128xf32>
    %mul3A_18 = arith.mulf %reshape3A_17, %mul3A : vector<8x128x128xf32>
    %reshape3A_19 = vector.shape_cast %mul3A_18 : vector<8x128x128xf32> to vector<1024x128xf32>
    %get3A_20 = arith.constant 0 : index
    %get3A_21 = arith.constant 0 : index
    %get3A_22 = vector.load %arg2[%get3A_20, %get3A_21] : memref<1024x128xf32, #tpu.memory_space<vmem>>, vector<1024x128xf32>
    %concatenate3A = tpu.concatenate %get3A_22, %reshape3A_19 in 1 : vector<1024x128xf32>, vector<1024x128xf32> -> vector<1024x256xf32>
    %reduce_sum3A = arith.constant dense<0.000000e+00> : vector<1024xf32>
    %reduce_sum3A_23 = vector.multi_reduction <add>, %concatenate3A, %reduce_sum3A [1] : vector<1024x256xf32> to vector<1024xf32>
    %broadcast_in_dim3A_24 = vector.shape_cast %reduce_sum3A_23 : vector<1024xf32> to vector<1024x1xf32>
    %div3A_25 = arith.constant 2.560000e+02 : f32
    %div3A_26 = vector.broadcast %div3A_25 : f32 to vector<1024x1xf32>
    %div3A_27 = arith.divf %broadcast_in_dim3A_24, %div3A_26 : vector<1024x1xf32>
    %sub3A = vector.broadcast %div3A_27 : vector<1024x1xf32> to vector<1024x256xf32>
    %sub3A_28 = arith.subf %concatenate3A, %sub3A : vector<1024x256xf32>
    %mul3A_29 = arith.mulf %sub3A_28, %sub3A_28 : vector<1024x256xf32>
    %reduce_sum3A_30 = arith.constant dense<0.000000e+00> : vector<1024xf32>
    %reduce_sum3A_31 = vector.multi_reduction <add>, %mul3A_29, %reduce_sum3A_30 [1] : vector<1024x256xf32> to vector<1024xf32>
    %broadcast_in_dim3A_32 = vector.shape_cast %reduce_sum3A_31 : vector<1024xf32> to vector<1024x1xf32>
    %div3A_33 = arith.constant 2.560000e+02 : f32
    %div3A_34 = vector.broadcast %div3A_33 : f32 to vector<1024x1xf32>
    %div3A_35 = arith.divf %broadcast_in_dim3A_32, %div3A_34 : vector<1024x1xf32>
    %add3A_36 = arith.constant 9.99999974E-6 : f32
    %add3A_37 = vector.broadcast %add3A_36 : f32 to vector<1024x1xf32>
    %add3A_38 = arith.addf %div3A_35, %add3A_37 : vector<1024x1xf32>
    %rsqrt3A = math.rsqrt %add3A_38 : vector<1024x1xf32>
    %mul3A_39 = vector.broadcast %rsqrt3A : vector<1024x1xf32> to vector<1024x256xf32>
    %mul3A_40 = arith.mulf %sub3A_28, %mul3A_39 : vector<1024x256xf32>
    %get3A_41 = arith.constant 0 : index
    %get3A_42 = arith.constant 0 : index
    %get3A_43 = vector.load %arg3[%get3A_41, %get3A_42] : memref<1x256xf32, #tpu.memory_space<vmem>>, vector<1x256xf32>
    %mul3A_44 = vector.broadcast %get3A_43 : vector<1x256xf32> to vector<1024x256xf32>
    %mul3A_45 = arith.mulf %mul3A_40, %mul3A_44 : vector<1024x256xf32>
    %get3A_46 = arith.constant 0 : index
    %get3A_47 = arith.constant 0 : index
    %get3A_48 = vector.load %arg4[%get3A_46, %get3A_47] : memref<1x256xf32, #tpu.memory_space<vmem>>, vector<1x256xf32>
    %add3A_49 = vector.broadcast %get3A_48 : vector<1x256xf32> to vector<1024x256xf32>
    %add3A_50 = arith.addf %mul3A_45, %add3A_49 : vector<1024x256xf32>
    %get3A_51 = arith.constant 0 : index
    %get3A_52 = arith.constant 0 : index
    %get3A_53 = vector.load %arg5[%get3A_51, %get3A_52] : memref<256x128xf32, #tpu.memory_space<vmem>>, vector<256x128xf32>
    %dot_general3A = arith.constant dense<0.000000e+00> : vector<1024x128xf32>
    %dot_general3A_54 = tpu.matmul %add3A_50, %get3A_53, %dot_general3A {dimension_numbers = #tpu.dot_dimension_numbers<[1], [0], [0], [1], [0, 0, 1, 1], [], []>, transpose_lhs_hint = false} : vector<1024x256xf32>, vector<256x128xf32>, vector<1024x128xf32> -> vector<1024x128xf32>
    %get3A_55 = arith.constant 0 : index
    %get3A_56 = arith.constant 0 : index
    %get3A_57 = vector.load %arg6[%get3A_55, %get3A_56] : memref<1x128xf32, #tpu.memory_space<vmem>>, vector<1x128xf32>
    %add3A_58 = vector.broadcast %get3A_57 : vector<1x128xf32> to vector<1024x128xf32>
    %add3A_59 = arith.addf %dot_general3A_54, %add3A_58 : vector<1024x128xf32>
    %max3A_60 = arith.constant 0.000000e+00 : f32
    %max3A_61 = vector.broadcast %max3A_60 : f32 to vector<1024x128xf32>
    %max3A_62 = arith.maximumf %add3A_59, %max3A_61 : vector<1024x128xf32>
    %get3A_63 = arith.constant 0 : index
    %get3A_64 = arith.constant 0 : index
    %get3A_65 = vector.load %arg7[%get3A_63, %get3A_64] : memref<128x128xf32, #tpu.memory_space<vmem>>, vector<128x128xf32>
    %dot_general3A_66 = arith.constant dense<0.000000e+00> : vector<1024x128xf32>
    %dot_general3A_67 = tpu.matmul %max3A_62, %get3A_65, %dot_general3A_66 {dimension_numbers = #tpu.dot_dimension_numbers<[1], [0], [0], [1], [0, 0, 1, 1], [], []>, transpose_lhs_hint = false} : vector<1024x128xf32>, vector<128x128xf32>, vector<1024x128xf32> -> vector<1024x128xf32>
    %get3A_68 = arith.constant 0 : index
    %get3A_69 = arith.constant 0 : index
    %get3A_70 = vector.load %arg8[%get3A_68, %get3A_69] : memref<1x128xf32, #tpu.memory_space<vmem>>, vector<1x128xf32>
    %add3A_71 = vector.broadcast %get3A_70 : vector<1x128xf32> to vector<1024x128xf32>
    %add3A_72 = arith.addf %dot_general3A_67, %add3A_71 : vector<1024x128xf32>
    %swap3A = arith.constant 0 : index
    %swap3A_73 = arith.constant 0 : index
    %swap3A_74 = vector.load %arg9[%swap3A, %swap3A_73] : memref<1024x128xf32, #tpu.memory_space<vmem>>, vector<1024x128xf32>
    tpu.vector_store %arg9[%swap3A, %swap3A_73], %add3A_72 {strides = array<i32>} : memref<1024x128xf32, #tpu.memory_space<vmem>>, vector<1024x128xf32>,
    return
  }
}

</mosaic_0001>

<sc_bundles>
// kernel: _impl.4.cloned.1.call-start
scs
__scs_entry_jumppad:
0x0: {  	(pc) =	sbr.rel $0x88, $3  }
0x1: {  	(tag) =	ssettag $0x0;
	lr =	simm.s32 $0x1  }
0x2: {  	[smem:$0x3F98] =	sst lr;
	_ =	strace $0xD0000000  }
0x3: {  	_ = 	snop  }
0x4: {  	_ = 	snop  }
0x5: {  	_ = 	snop  }
0x6: {  	_ = 	snop  }
0x7: {  	_ = 	snop  }
__scs_overlays_trampoline_lowered:
0x8: {  	[smem:$0x3FA7] =	sst s0  }
0x9: {  	[smem:$0x3FA8] =	sst s1  }
0xa: {  	[smem:$0x3FA9] =	sst s2  }
0xb: {  	[smem:$0x3FAA] =	sst s3  }
0xc: {  	[smem:$0x3FAB] =	sst s4  }
0xd: {  	[smem:$0x3FAC] =	sst s5  }
0xe: {  	[smem:$0x3FAD] =	sst s6  }
0xf: {  	[smem:$0x3FAE] =	sst s7  }
0x10: {  	[smem:$0x3FAF] =	sst s8  }
0x11: {  	[smem:$0x3FB0] =	sst s9;
	s0 =	simm.s32 @!p0 $0x0  }
0x12: {  	s1 =	sld [smem:$0x3F96];
	s0 =	simm.s32 @p0 $0x1  }
0x13: {  	[smem:$0x3FB1] =	sst s0;
	s0 =	simm.s32 @!p1 $0x0  }
0x14: {  	s2 =	sld [smem:$0x3F95];
	s0 =	simm.s32 @p1 $0x1  }
0x15: {  	[smem:$0x3FB2] =	sst s0;
	s0 =	simm.s32 @!p2 $0x0  }
0x16: {  	s3 =	sld [smem:$0x3FDB];
	s0 =	simm.s32 @p2 $0x1  }
0x17: {  	s4 =	simm.s32 $0x1BF5;
	[smem:$0x3FB4] =	sst s0  }
0x18: {  	s0 =	sld [smem:$0x3F97];
	_ =	swait.ge [sflag:s4], $0x0  }
0x19: {  	s7 =	sld [smem:$0x3F98]  }
0x1a: {  	s8 =	sadd.s32 $0xFFFFE003, lr  }
0x1b: {  	s9 =	sadd.s32 $0xFFFFFEF7, lr;
	s5 =	simm.s32 $0xFFFFFFFF;
	p2 =	slt.u32 s8, $0xFFFFF086  }
0x1c: {  	p1 =	slt.u32 s9, $0xF7A;
	s5 =	simm.s32 @!p2 $0x0  }
0x1d: {  	s5 =	simm.s32 @p1 $0x1;
	p0 =	seq.s32 s7, s2  }
0x1e: {  	s7 =	smul.u32 @!p0 $0xF7A, s2;
	p2 =	seq.s32 @!p0 s5, $0x0  }
0x1f: {  	s9 =	smul.u32 $0xF7A, s1;
	s8 =	simm.s32 @!p0 $0x1BF5;
	p2 =	por !p2, p0  }
0x20: {  	[sflag:s8] =	ssyncset.s32 @!p0 $0xFFFFF086;
	s6 =	sadd.s32 @!p0 s3, s7;
	s7 =	simm.s32 @!p0 $0x108  }
0x21: {  	s3 =	sadd.s32 s3, s9;
	s6 =	sadd.s32 @!p0 $0x88, s6;
	s7 =	simm.s32 @p2 $0x1082  }
0x22: {  	[simem:s7], [sflag:s8] =	dma.local @!p0 [hbm:s6], $0xF7A  }
0x23: {  	s9 =	sor.u32 $0xD0000000, s2;
	s6 =	simm.s32 $0x108;
	_ =	swait.ge @!p0 [sflag:s8], $0x0  }
0x24: {  	s3 =	sadd.s32 $0x88, s3;
	s6 =	simm.s32 @!p1 $0x1082;
	[sflag:s4] =	ssyncset.s32 $0xFFFFF086  }
0x25: {  	[simem:s6], [sflag:s4] =	dma.local [hbm:s3], $0xF7A  }
0x26: {  	[smem:$0x3F98] =	sst s1;
	(tag) =	ssettag s2;
	_ =	strace s9  }
0x27: {  	s1 =	sld [smem:$0x3FA8]  }
0x28: {  	s2 =	sld [smem:$0x3FA9]  }
0x29: {  	s4 =	sld [smem:$0x3FAB]  }
0x2a: {  	p0 =	seq.s32 s5, $0x0;
	s5 =	sld [smem:$0x3FAC]  }
0x2b: {  	s6 =	sld [smem:$0x3FAD]  }
0x2c: {  	s7 =	sld [smem:$0x3FAE]  }
0x2d: {  	s3 =	simm.s32 $0x108;
	s8 =	sld [smem:$0x3FAF]  }
0x2e: {  	s3 =	simm.s32 @!p0 $0x1082;
	s9 =	sld [smem:$0x3FB0]  }
0x2f: {  	lr =	sadd.s32 s0, s3;
	s0 =	sld [smem:$0x3FA7]  }
0x30: {  	s3 =	sld [smem:$0x3FAA]  }
0x31: {  	[smem:$0x3FB3] =	sst s10  }
0x32: {  	s10 =	sld [smem:$0x3FB1];
	_ =	sdelay $0x3  }
0x33: {  	p0 =	seq.s32 s10, $0x1;
	s10 =	sld [smem:$0x3FB3];
	_ =	sdelay $0x3  }
0x34: {  	[smem:$0x3FB3] =	sst s10  }
0x35: {  	s10 =	sld [smem:$0x3FB2];
	_ =	sdelay $0x3  }
0x36: {  	p1 =	seq.s32 s10, $0x1;
	s10 =	sld [smem:$0x3FB3];
	_ =	sdelay $0x3  }
0x37: {  	[smem:$0x3FB3] =	sst s10  }
0x38: {  	s10 =	sld [smem:$0x3FB4]  }
0x39: {  	_ = 	snop;
	(pc) =	sbr.ind lr, $3  }
0x3a: {  	_ = 	snop  }
0x3b: {  	_ = 	snop  }
0x3c: {  	p2 =	seq.s32 s10, $0x1;
	s10 =	sld [smem:$0x3FB3]  }
0x3d: {  	_ =	shalt  }
0x3e: {  	_ =	shalt  }
0x3f: {  	_ =	shalt  }
0x40: {  	_ =	shalt  }
0x41: {  	_ =	shalt  }
0x42: {  	_ =	shalt  }
0x43: {  	_ =	shalt  }
0x44: {  	_ =	shalt  }
0x45: {  	_ =	shalt  }
0x46: {  	_ =	shalt  }
0x47: {  	_ =	shalt  }
0x48: {  	_ =	shalt  }
0x49: {  	_ =	shalt  }
0x4a: {  	_ =	shalt  }
0x4b: {  	_ =	shalt  }
0x4c: {  	_ =	shalt  }
0x4d: {  	_ =	shalt  }
0x4e: {  	_ =	shalt  }
0x4f: {  	_ =	shalt  }
0x50: {  	_ =	shalt  }
0x51: {  	_ =	shalt  }
0x52: {  	_ =	shalt  }
0x53: {  	_ =	shalt  }
0x54: {  	_ =	shalt  }
0x55: {  	_ =	shalt  }
0x56: {  	_ =	shalt  }
0x57: {  	_ =	shalt  }
0x58: {  	_ =	shalt  }
0x59: {  	_ =	shalt  }
0x5a: {  	_ =	shalt  }
0x5b: {  	_ =	shalt  }
0x5c: {  	_ =	shalt  }
0x5d: {  	_ =	shalt  }
0x5e: {  	_ =	shalt  }
0x5f: {  	_ =	shalt  }
0x60: {  	_ =	shalt  }
0x61: {  	_ =	shalt  }
0x62: {  	_ =	shalt  }
0x63: {  	_ =	shalt  }
0x64: {  	_ =	shalt  }
0x65: {  	_ =	shalt  }
0x66: {  	_ =	shalt  }
0x67: {  	_ =	shalt  }
0x68: {  	_ =	shalt  }
0x69: {  	_ =	shalt  }
0x6a: {  	_ =	shalt  }
0x6b: {  	_ =	shalt  }
0x6c: {  	_ =	shalt  }
0x6d: {  	_ =	shalt  }
0x6e: {  	_ =	shalt  }
0x6f: {  	_ =	shalt  }
0x70: {  	_ =	shalt  }
0x71: {  	_ =	shalt  }
0x72: {  	_ =	shalt  }
0x73: {  	_ =	shalt  }
0x74: {  	_ =	shalt  }
0x75: {  	_ =	shalt  }
0x76: {  	_ =	shalt  }
0x77: {  	_ =	shalt  }
0x78: {  	_ =	shalt  }
0x79: {  	_ =	shalt  }
0x7a: {  	_ =	shalt  }
0x7b: {  	_ =	shalt  }
0x7c: {  	_ =	shalt  }
0x7d: {  	_ =	shalt  }
0x7e: {  	_ =	shalt  }
0x7f: {  	_ =	shalt  }
0x80: {  	_ =	shalt  }
0x81: {  	_ =	shalt  }
0x82: {  	_ =	shalt  }
0x83: {  	_ =	shalt  }
0x84: {  	_ =	shalt  }
0x85: {  	_ =	shalt  }
0x86: {  	_ =	shalt  }
0x87: {  	_ =	shalt  }
.Lfunc_end0:
.L_simem_size_0:
called_computation_lowered:
.L_overlay_start_0:
0x88: {  	s2 =	sld [smem:$0x3FD9]  }
0x89: {  	s3 =	sld [smem:$0x3FFE];
	_ =	sdelay $0x1  }
0x8a: {  	s1 =	srdreg.scid  }
0x8b: {  	s0 =	sand.u32 $0x1, s1  }
0x8c: {  	s17 =	sshll.u32 s0, $0xA;
	s2 =	sadd.s32 s3, s2  }
0x8d: {  	s2 =	sadd.s32 s2, s17  }
0x8e: {  	[smem:$0x3FBF] =	sst s2  }
0x8f: {  	_ = 	snop  }
0x90: {  	s2 =	sld [smem:$0x3FC9]  }
0x91: {  	s18 =	sld [smem:$0x3FC7]  }
0x92: {  	s4 =	sld [smem:$0x3FD0];
	(tm) =	ssettm $0x1  }
0x93: {  	s5 =	sld [smem:$0x3FFB];
	_ =	sdelay $0x3  }
0x94: {  	_ =	strace s5  }
0x95: {  	s5 =	sld [smem:$0x3FFC];
	_ =	sdelay $0x3  }
0x96: {  	_ =	strace s5  }
0x97: {  	s5 =	sld [smem:$0x3FFD];
	_ =	sdelay $0x3  }
0x98: {  	_ =	strace s5  }
0x99: {  	_ =	strace $0x8FFFFFFF  }
0x9a: {  	s19 =	sld [smem:$0x3FDB];
	_ =	sdelay $0x1  }
0x9b: {  	s6 =	simm.s32 $_scs_section_size  }
0x9c: {  	s7 =	simm.s32 $_size__tile_overlayer_lowered;
	s8 =	simm.s32 $_tile_overlayer_lowered  }
0x9d: {  	s22 =	simm.s32 $0x1BFF;
	s21 =	sshll.u32 s8, $0x1;
	s5 =	sadd.s32 s6, s19  }
0x9e: {  	s9 =	simm.s32 $0x0;
	s20 =	sshll.u32 s7, $0x1;
	s7 =	sadd.s32 s21, s5  }
0x9f: {  	[timem:s9], [sflag:s22] =	dma.local [hbm:s7], s20  }
0xa0: {  	_ =	swait.ge [sflag:s22], s20  }
0xa1: {  	s6 =	ssub.s32 $0x0, s20;
	[sflag:s22] =	ssyncset.done $0x0  }
0xa2: {  	[sflag:s22] =	ssyncadd.s32 s6;
	_ =	sdelay $0x1  }
0xa3: {  	s23 =	simm.s32 $0x1B8B  }
0xa4: {  	_ =	swait.ge [sflag:s23], $0x1  }
0xa5: {  	[sflag:s23] =	ssyncset.done $0x0  }
0xa6: {  	s25 =	simm.s32 $0x1B8E;
	s24 =	sld [smem:$0x3FFE];
	[sflag:s23] =	ssyncadd.s32 $0xFFFFFFFF  }
0xa7: {  	s26 =	simm.s32 $execute0_lowered;
	[smem:$0x3FD2] =	sst s25  }
0xa8: {  	s7 =	sshll.u32 s26, $0x1;
	_ =	strace $0x80000046;
	[dreg:$0x1] =	wrdreg $0xFFFFFFFF  }
0xa9: {  	s28 =	simm.s32 $_size_execute0_lowered;
	s5 =	sadd.s32 s5, s7;
	[dreg:$0x0] =	wrdreg $0x0  }
0xaa: {  	s7 =	sshll.u32 s28, $0x1;
	[dreg:$0x2] =	wrdreg s5  }
0xab: {  	[dreg:$0x3] =	wrdreg s7  }
0xac: {  	[dreg:$0x4] =	wrdreg $0xC0  }
0xad: {  	_ =	task [dreg:s9], $0x5FFFF  }
0xae: {  	[dreg:$0x1] =	wrdreg $0xFFFFFFFF  }
0xaf: {  	[dreg:$0x0] =	wrdreg $0x60  }
0xb0: {  	[dreg:$0x2] =	wrdreg s2  }
0xb1: {  	[dreg:$0x3] =	wrdreg s18  }
0xb2: {  	[dreg:$0x4] =	wrdreg s24  }
0xb3: {  	[dreg:$0x5] =	wrdreg s4  }
0xb4: {  	[dreg:$0x6] =	wrdreg $0x1C1800  }
0xb5: {  	[dreg:$0x7] =	wrdreg $0x1E1800  }
0xb6: {  	[dreg:$0x8] =	wrdreg $0x9  }
0xb7: {  	_ =	task.clear_ibuf [dreg:s9], $0x9FFFF;
	_ =	strace $0x90000046  }
0xb8: {  	s29 =	simm.s32 $0x9;
	_ =	strace $0x80000048  }
0xb9: {  	_ =	swait.ge [sflag:s29], $0x1  }
0xba: {  	[sflag:s29] =	ssyncadd.s32 $0xFFFFFFFF  }
0xbb: {  	_ =	strace $0x90000048  }
0xbc: {  	_ =	sfence  }
0xbd: {  	s30 =	sld [smem:$0x0];
	_ =	sdelay $0x2  }
0xbe: {  	s31 =	sshll.u32 s1, $0xD;
	s1 =	sshrl.u32 s1, $0x2  }
0xbf: {  	s3 =	sand.u32 $0x4000, s31;
	s1 =	sadd.s32 s1, s30  }
0xc0: {  	s0 =	sor.u32 s3, s0;
	s1 =	sshll.u32 s1, $0x11  }
0xc1: {  	s0 =	sor.u32 s1, s0  }
0xc2: {  	s0 =	sadd.s32 $0x8F2B, s0  }
0xc3: {  	[sflag:s0] =	ssyncadd.remote.s32 $0x1  }
0xc4: {  	_ =	sfence.sel $0xFFFF  }
0xc5: {  	[dreg:$0x0] =	wrdreg $0xFFFFFFFF;
	(pc) =	sbr.abs _section_cstart, $3  }
0xc6: {  	[dreg:$0x1] =	wrdreg $0xFFFFFFFF  }
0xc7: {  	_ =	task.clear_ibuf [dreg:s9], $0x2FFFF;
	_ =	strace $0x9FFFFFFF  }
0xc8: {  	(tm) =	ssettm $0x7FFFFFFF  }
0xc9: {  	_ =	shalt  }
tec
execute0_lowered:
.L_overlay_start_1:
0x0: {  	(tag) =	ssettag $0x1  }
0x1: {  	s14 =	rddreg [dreg:$0x0]  }
0x2: {  	s0 =	rddreg [dreg:$0x1]  }
0x3: {  	s1 =	rddreg [dreg:$0x2]  }
0x4: {  	s4 =	rddreg [dreg:$0x3]  }
0x5: {  	s2 =	rddreg [dreg:$0x4]  }
0x6: {  	s3 =	rddreg [dreg:$0x5]  }
0x7: {  	s6 =	srdreg.scid;
	s5 =	simm.s32 $0x0;
	s15 =	stileid.u32  }
0x8: {  	s31 =	simm.s32 $0x1000;
	s29 =	simm.s32 $0x11000;
	s28 =	simm.s32 $0x1C100  }
0x9: {  	s30 =	simm.s32 $0xD;
	s6 =	sand.u32 $0x1, s6;
	[smem:$0x7FF] =	sst s5  }
0xa: {  	s8 =	sand.u32 $0xE, s15;
	s10 =	sshll.u32 s15, $0x6;
	s11 =	sshll.u32 s15, $0xA  }
0xb: {  	s18 =	sshll.u32 s15, $0x13;
	s7 =	sshll.u32 s6, $0x4;
	_ =	strace $0x80000047  }
0xc: {  	s8 =	sor.u32 s6, s8;
	s12 =	sand.u32 $0x40, s10;
	s11 =	sadd.s32 s11, s1  }
0xd: {  	s21 =	ssub.s32 $0x2, s6;
	s16 =	sshll.u32 s6, $0xE;
	s10 =	sadd.s32 s10, s3  }
0xe: {  	s17 =	sshll.u32 s6, $0x17;
	s7 =	sor.u32 s15, s7;
	s8 =	sshll.u32 s8, $0x7  }
0xf: {  	s22 =	sshrl.u32 s21, $0x1;
	[dreg:$0x10] =	wrdreg s10;
	s9 =	sshll.u32 s7, $0x2  }
0x10: {  	s8 =	sor.u32 s12, s8;
	s13 =	sshll.u32 s7, $0x10;
	s7 =	sshll.u32 s7, $0x9  }
0x11: {  	s9 =	sadd.s32 s9, s1;
	s8 =	sshrl.u32 s8, $0x3;
	s13 =	sadd.s32 s14, s13  }
0x12: {  	s0 =	sadd.s32 s0, s7;
	s4 =	sadd.s32 s4, s7;
	[dreg:$0x7] =	wrdreg s13  }
0x13: {  	s7 =	simm.s32 $0x15000;
	s1 =	sadd.s32 s8, s1;
	[dreg:$0xe] =	wrdreg s0  }
0x14: {  	s8 =	ssub.s32 s21, s22;
	s9 =	sadd.s32 $0x1A00, s9;
	[dreg:$0x11] =	wrdreg s4  }
0x15: {  	s23 =	sadd.s32 $0x800, s13;
	s24 =	sadd.s32 $0x1000, s13;
	[dreg:$0x8] =	wrdreg s9  }
0x16: {  	s25 =	sadd.s32 $0x1800, s13;
	s26 =	sadd.s32 $0x2000, s13;
	[dreg:$0x9] =	wrdreg s23  }
0x17: {  	s12 =	sadd.s32 $0x2800, s13;
	s13 =	sshll.u32 s15, $0xD;
	[dreg:$0xa] =	wrdreg s24  }
0x18: {  	s0 =	sadd.s32 s16, s11;
	s11 =	simm.s32 $0x3;
	[dreg:$0xb] =	wrdreg s25  }
0x19: {  	s16 =	simm.s32 $0x4;
	s15 =	simm.s32 $0x0;
	[dreg:$0xc] =	wrdreg s26  }
0x1a: {  	[dreg:$0xd] =	wrdreg s12;
	s9 =	sadd.s32 s13, s2;
	s0 =	sadd.s32 $0x1C00, s0  }
0x1b: {  	s1 =	sadd.s32 $0x9C00, s1;
	s19 =	smax.u32 s8, $0x1;
	[dreg:$0x12] =	wrdreg s0  }
0x1c: {  	s12 =	simm.s32 $0x80;
	s13 =	simm.s32 $0x19000;
	[dreg:$0x13] =	wrdreg s1  }
0x1d: {  	[dreg:$0x14] =	wrdreg s19;
	s0 =	sor.u32 s18, s17;
	s17 =	simm.s32 $0x5  }
0x1e: {  	s18 =	simm.s32 $0x6;
	s19 =	simm.s32 $0x7;
	[dreg:$0xf] =	wrdreg s9  }
0x1f: {  	s20 =	sor.u32 $0x2C000, s0;
	s4 =	sor.u32 $0x28000, s0;
	s21 =	sor.u32 $0x24000, s0  }
0x20: {  	s24 =	sor.u32 $0x20000, s0;
	s25 =	sor.u32 $0x1C000, s0;
	s0 =	sor.u32 $0x18000, s0  }
0x21: {  	s1 =	sshrl.u32 s20, $0x3;
	s4 =	sshrl.u32 s4, $0x3;
	s6 =	sshrl.u32 s21, $0x3  }
0x22: {  	s0 =	sshrl.u32 s0, $0x3;
	s20 =	simm.s32 $0x8;
	s1 =	sadd.s32 s1, s14  }
0x23: {  	s21 =	simm.s32 $0x9;
	s22 =	sadd.s32 s4, s14;
	[dreg:$0x15] =	wrdreg s1  }
0x24: {  	s23 =	sadd.s32 s6, s14;
	s4 =	sshrl.u32 s25, $0x3;
	[dreg:$0x16] =	wrdreg s22  }
0x25: {  	s0 =	sadd.s32 s0, s14;
	s25 =	simm.s32 $0x1A100;
	[dreg:$0x17] =	wrdreg s23  }
.Ltmp0:
0x26: {  	s1 =	sshrl.u32 s24, $0x3;
	s26 =	sadd.s32 s4, s14;
	(pc) =	sbr.rel .LBB2_1-.Ltmp0, $4  }
0x27: {  	[dreg:$0x1a] =	wrdreg s0;
	s24 =	simm.s32 $0x19100;
	s4 =	simm.s32 $0x9000  }
0x28: {  	s0 =	simm.s32 $0xD000;
	s22 =	simm.s32 $0xA;
	s23 =	simm.s32 $0xE  }
0x29: {  	s1 =	sadd.s32 s1, s14;
	[dreg:$0x19] =	wrdreg s26;
	s14 =	simm.s32 $0xF  }
0x2a: {  	v0 =	vimm.f32 $0.0e+00;
	v1 =	vimm.f32 $1.000000000e+00;
	s26 =	simm.s32 $0xB;
	[dreg:$0x18] =	wrdreg s1;
	s1 =	simm.s32 $0x5000  }
.LBB2_6:
0x2b: {  	_ =	swait.ge [sflag:s23], $0x4000  }
0x2c: {  	[sflag:s23] =	ssyncset.done $0x0  }
0x2d: {  	[sflag:s23] =	ssyncadd.s32 $0xFFFFC000  }
0x2e: {  	_ =	swait.ge [sflag:s23], $0x80  }
0x2f: {  	[sflag:s23] =	ssyncset.done $0x0  }
0x30: {  	[sflag:s23] =	ssyncadd.s32 $0xFFFFFF80  }
0x31: {  	_ =	swait.ge [sflag:s11], $0x4000  }
0x32: {  	[sflag:s11] =	ssyncset.done $0x0  }
0x33: {  	s6 =	simm.s32 $0xF00;
	[sflag:s11] =	ssyncadd.s32 $0xFFFFC000  }
0x34: {  	[spmem:s2] =	stream.indirect.scatter.add.f32 [tilespmem:s31], [sflag:$0x9], $0x80, s6, s12, $0xb8;
	[tilespmem:$0x1E1C0] =	vst v63  }
0x35: {  	_ = 	snop  }
0x36: {  	[spmem:s3] =	stream.indirect.scatter.add.f32 [tilespmem:s13], [sflag:$0x9], $0x1, s6, s12, $0xb8;
	[tilespmem:$0x1E1C0] =	vst v63  }
0x37: {  	_ =	swait.ge [sflag:s16], $0x4000  }
0x38: {  	[sflag:s16] =	ssyncset.done $0x0  }
0x39: {  	s9 =	simm.s32 $0xF80;
	[sflag:s16] =	ssyncadd.s32 $0xFFFFC000  }
0x3a: {  	[spmem:s2] =	stream.indirect.scatter.add.f32 [tilespmem:s1], [sflag:$0xA], $0x80, s9, s12, $0xb8;
	[tilespmem:$0x1E1C0] =	vst v63  }
0x3b: {  	_ = 	snop  }
0x3c: {  	[spmem:s3] =	stream.indirect.scatter.add.f32 [tilespmem:s13], [sflag:$0xA], $0x1, s9, s12, $0xb8;
	[tilespmem:$0x1E1C0] =	vst v63  }
0x3d: {  	_ =	swait.ge [sflag:s21], $0x4000  }
0x3e: {  	[sflag:s21] =	ssyncset.done $0x0  }
0x3f: {  	[sflag:s21] =	ssyncadd.s32 $0xFFFFC000  }
0x40: {  	_ =	swait.ge [sflag:s21], $0x80  }
0x41: {  	[sflag:s21] =	ssyncset.done $0x0  }
0x42: {  	[sflag:s21] =	ssyncadd.s32 $0xFFFFFF80  }
0x43: {  	_ =	swait.ge [sflag:s22], $0x4000  }
0x44: {  	[sflag:s22] =	ssyncset.done $0x0  }
0x45: {  	[sflag:s22] =	ssyncadd.s32 $0xFFFFC000  }
0x46: {  	_ =	swait.ge [sflag:s22], $0x80  }
0x47: {  	[sflag:s22] =	ssyncset.done $0x0  }
0x48: {  	s10 =	simm.s32 $0x1;
	[sflag:s22] =	ssyncadd.s32 $0xFFFFFF80  }
0x49: {  	_ =	swait.ge [sflag:s10], $0x1000  }
0x4a: {  	[sflag:s10] =	ssyncset.done $0x0  }
0x4b: {  	s24 =	simm.s32 $0x19100;
	s14 =	rddreg [dreg:$0x11];
	[sflag:s10] =	ssyncadd.s32 $0xFFFFF000  }
0x4c: {  	[hbm4b:s14+s5] =	stream.linear.scatter [tilespmem:s24], [sflag:$0xF], $0x1000, $0x38;
	[tilespmem:$0x1E1C0] =	vst v63  }
0x4d: {  	s14 =	simm.s32 $0xF  }
0x4e: {  	_ =	swait.ge [sflag:s14], $0x1000  }
0x4f: {  	[sflag:s14] =	ssyncset.done $0x0  }
0x50: {  	[sflag:s14] =	ssyncadd.s32 $0xFFFFF000  }
0x51: {  	[bflag:$0x0] =	sbarrier.arrive $0xFFFF  }
0x52: {  	s25 =	simm.s32 $0x1A100;
	s9 =	rddreg [dreg:$0xf]  }
0x53: {  	[tilespmem:s25], [sflag:$0x2] =	stream.linear.gather [spmem:s9], $0x2000, $0x38;
	[tilespmem:$0x1E1C0] =	vst v63  }
0x54: {  	s28 =	simm.s32 $0x1C100;
	s8 =	simm.s32 $0x2;
	s10 =	rddreg [dreg:$0x10]  }
0x55: {  	[tilespmem:s28], [sflag:$0x2] =	stream.linear.gather [spmem:s10], $0x40, $0x38;
	[tilespmem:$0x1E1C0] =	vst v63  }
0x56: {  	_ =	swait.ge [sflag:s8], $0x2000  }
0x57: {  	[sflag:s8] =	ssyncset.done $0x0  }
0x58: {  	[sflag:s8] =	ssyncadd.s32 $0xFFFFE000  }
0x59: {  	_ =	swait.ge [sflag:s8], $0x40  }
0x5a: {  	[sflag:s8] =	ssyncset.done $0x0  }
0x5b: {  	s15 =	rddreg [dreg:$0x12];
	[sflag:s8] =	ssyncadd.s32 $0xFFFFFFC0  }
0x5c: {  	[hbm4b:s15+s5] =	stream.linear.scatter [tilespmem:s25], [sflag:$0x2], $0x2000, $0x38;
	[tilespmem:$0x1E1C0] =	vst v63  }
0x5d: {  	s15 =	rddreg [dreg:$0x13]  }
0x5e: {  	[hbm4b:s15+s5] =	stream.linear.scatter [tilespmem:s28], [sflag:$0x2], $0x40, $0x38;
	[tilespmem:$0x1E1C0] =	vst v63  }
0x5f: {  	_ =	swait.ge [sflag:s8], $0x2000  }
0x60: {  	[sflag:s8] =	ssyncset.done $0x0  }
0x61: {  	[sflag:s8] =	ssyncadd.s32 $0xFFFFE000  }
0x62: {  	_ =	swait.ge [sflag:s8], $0x40  }
0x63: {  	s15 =	rddreg [dreg:$0x1b]  }
0x64: {  	s6 =	rddreg [dreg:$0x14];
	s15 =	sadd.s32 $0x1, s15  }
0x65: {  	p0 =	sne.s32 s15, s6  }
.Ltmp1:
0x66: {  	_ = 	snop;
	(pc) =	sbr.rel @!p0 .LBB2_7-.Ltmp1, $3  }
0x67: {  	_ =	sdelay $0x1  }
0x68: {  	[sflag:s8] =	ssyncset.done $0x0  }
0x69: {  	[sflag:s8] =	ssyncadd.s32 $0xFFFFFFC0  }
.LBB2_1:
0x6a: {  	[dreg:$0x1b] =	wrdreg s15  }
0x6b: {  	s6 =	rddreg [dreg:$0x8];
	s8 =	simm.s32 $0x19080  }
0x6c: {  	[tilespmem:s8], [sflag:$0xF] =	stream.linear.gather [hbm4b:s6+s5], $0x20, $0x38;
	[tilespmem:$0x1E1C0] =	vst v63  }
0x6d: {  	_ =	swait.ge [sflag:s14], $0x20  }
0x6e: {  	[sflag:s14] =	ssyncset.done $0x0  }
0x6f: {  	[sflag:s14] =	ssyncadd.s32 $0xFFFFFFE0  }
0x70: {  	s15 =	simm.s32 $0x20;
	s6 =	rddreg [dreg:$0x0]  }
0x71: {  	[tilespmem:s24], [sflag:$0x1] =	stream.indirect.gather [hbm4b:s6+s15], $0x80, s8, s15, $0xb8;
	[tilespmem:$0x1E1C0] =	vst v63  }
0x72: {  	s24 =	rddreg [dreg:$0x7]  }
0x73: {  	[tilespmem:s31], [sflag:$0x3] =	stream.linear.gather [hbm4b:s24+s5], $0x4000, $0x38;
	[tilespmem:$0x1E1C0] =	vst v63  }
0x74: {  	s8 =	rddreg [dreg:$0x9]  }
0x75: {  	[tilespmem:s1], [sflag:$0x4] =	stream.linear.gather [hbm4b:s8+s5], $0x4000, $0x38;
	[tilespmem:$0x1E1C0] =	vst v63  }
0x76: {  	s15 =	rddreg [dreg:$0xa]  }
0x77: {  	[tilespmem:s4], [sflag:$0x5] =	stream.linear.gather [hbm4b:s15+s5], $0x4000, $0x38;
	[tilespmem:$0x1E1C0] =	vst v63  }
0x78: {  	s24 =	rddreg [dreg:$0xb]  }
0x79: {  	[tilespmem:s0], [sflag:$0x6] =	stream.linear.gather [hbm4b:s24+s5], $0x4000, $0x38;
	[tilespmem:$0x1E1C0] =	vst v63  }
0x7a: {  	s8 =	rddreg [dreg:$0xc]  }
0x7b: {  	[tilespmem:s29], [sflag:$0x7] =	stream.linear.gather [hbm4b:s8+s5], $0x4000, $0x38;
	[tilespmem:$0x1E1C0] =	vst v63  }
0x7c: {  	s15 =	rddreg [dreg:$0xd]  }
0x7d: {  	[tilespmem:s7], [sflag:$0x8] =	stream.linear.gather [hbm4b:s15+s5], $0x4000, $0x38;
	[tilespmem:$0x1E1C0] =	vst v63  }
0x7e: {  	s24 =	rddreg [dreg:$0xe]  }
0x7f: {  	[tilespmem:s5], [sflag:$0xF] =	stream.linear.gather [hbm4b:s24+s5], $0x1000, $0x38;
	[tilespmem:$0x1E1C0] =	vst v63  }
0x80: {  	_ =	swait.ge [sflag:s14], $0x1000  }
0x81: {  	[sflag:s14] =	ssyncset.done $0x0  }
0x82: {  	s6 =	simm.s32 $0x0;
	s8 =	simm.s32 $0x200;
	[sflag:s14] =	ssyncadd.s32 $0xFFFFF000  }
.LBB2_2:
0x83: {  	p0 =	sne.s32 s8, $0x7E00;
	[tilespmem:s6+$0x1A170] =	vst v0  }
0x84: {  	[tilespmem:s6+$0x1A100] =	vst v0  }
0x85: {  	[tilespmem:s6+$0x1A110] =	vst v0  }
.Ltmp2:
0x86: {  	[tilespmem:s6+$0x1A120] =	vst v0;
	(pc) =	sbr.rel @p0 .LBB2_2-.Ltmp2, $4  }
0x87: {  	[tilespmem:s6+$0x1A130] =	vst v0  }
0x88: {  	[tilespmem:s6+$0x1A140] =	vst v0  }
0x89: {  	[tilespmem:s6+$0x1A150] =	vst v0  }
0x8a: {  	[tilespmem:s6+$0x1A160] =	vst v0;
	s6 =	sshra.s32 s8, $0x2;
	s8 =	sadd.s32 $0x200, s8  }
0x8b: {  	[tilespmem:s6+$0x1A170] =	vst v0  }
0x8c: {  	[tilespmem:s6+$0x1A100] =	vst v0  }
0x8d: {  	[tilespmem:s6+$0x1A110] =	vst v0  }
0x8e: {  	[tilespmem:s6+$0x1A120] =	vst v0  }
0x8f: {  	[tilespmem:s6+$0x1A130] =	vst v0  }
0x90: {  	[tilespmem:s6+$0x1A140] =	vst v0  }
0x91: {  	[tilespmem:s6+$0x1A150] =	vst v0  }
0x92: {  	[tilespmem:s6+$0x1A160] =	vst v0  }
0x93: {  	[tilespmem:$0x1C100] =	vst v0  }
0x94: {  	[tilespmem:$0x1C110] =	vst v0  }
0x95: {  	[tilespmem:$0x1C120] =	vst v0  }
0x96: {  	[tilespmem:$0x1C130] =	vst v0  }
0x97: {  	[spmem:s9] =	stream.linear.scatter [tilespmem:s25], [sflag:$0x2], $0x2000, $0x38;
	[tilespmem:$0x1E1C0] =	vst v63  }
0x98: {  	s25 =	simm.s32 $0x2  }
0x99: {  	[spmem:s10] =	stream.linear.scatter [tilespmem:s28], [sflag:$0x2], $0x40, $0x38;
	[tilespmem:$0x1E1C0] =	vst v63  }
0x9a: {  	_ =	swait.ge [sflag:s25], $0x2000  }
0x9b: {  	[sflag:s25] =	ssyncset.done $0x0  }
0x9c: {  	[sflag:s25] =	ssyncadd.s32 $0xFFFFE000  }
0x9d: {  	_ =	swait.ge [sflag:s25], $0x40  }
0x9e: {  	[sflag:s25] =	ssyncset.done $0x0  }
0x9f: {  	[sflag:s25] =	ssyncadd.s32 $0xFFFFFFC0  }
0xa0: {  	[tilespmem:$0x19000] =	vst v1  }
0xa1: {  	[tilespmem:$0x19010] =	vst v1  }
0xa2: {  	[tilespmem:$0x19020] =	vst v1  }
0xa3: {  	[tilespmem:$0x19030] =	vst v1  }
0xa4: {  	[tilespmem:$0x19040] =	vst v1  }
0xa5: {  	[tilespmem:$0x19050] =	vst v1  }
0xa6: {  	[tilespmem:$0x19060] =	vst v1  }
0xa7: {  	[tilespmem:$0x19070] =	vst v1  }
0xa8: {  	[bflag:$0x0] =	sbarrier.arrive $0xFFFF  }
0xa9: {  	s8 =	rddreg [dreg:$0x1a]  }
0xaa: {  	s9 =	rddreg [dreg:$0x19]  }
0xab: {  	s6 =	rddreg [dreg:$0x18]  }
0xac: {  	s14 =	rddreg [dreg:$0x17]  }
0xad: {  	s15 =	rddreg [dreg:$0x16]  }
0xae: {  	s25 =	simm.s32 $0x0;
	s28 =	rddreg [dreg:$0x15]  }
.LBB2_4:
0xaf: {  	_ =	swait.ge [sflag:s11], $0x4000  }
0xb0: {  	[sflag:s11] =	ssyncset.done $0x0  }
0xb1: {  	s24 =	sshra.s32 s25, $0x2;
	[sflag:s11] =	ssyncadd.s32 $0xFFFFC000  }
0xb2: {  	[spmem:s2] =	stream.indirect.scatter.add.f32 [tilespmem:s31], [sflag:$0x9], $0x80, s24, s12, $0xb8;
	[tilespmem:$0x1E1C0] =	vst v63  }
0xb3: {  	_ = 	snop  }
0xb4: {  	[spmem:s3] =	stream.indirect.scatter.add.f32 [tilespmem:s13], [sflag:$0x9], $0x1, s24, s12, $0xb8;
	[tilespmem:$0x1E1C0] =	vst v63  }
0xb5: {  	_ =	swait.ge [sflag:s16], $0x4000  }
0xb6: {  	[sflag:s16] =	ssyncset.done $0x0  }
0xb7: {  	s10 =	sadd.s32 $0x80, s24;
	[sflag:s16] =	ssyncadd.s32 $0xFFFFC000  }
0xb8: {  	[spmem:s2] =	stream.indirect.scatter.add.f32 [tilespmem:s1], [sflag:$0xA], $0x80, s10, s12, $0xb8;
	[tilespmem:$0x1E1C0] =	vst v63  }
0xb9: {  	_ = 	snop  }
0xba: {  	[spmem:s3] =	stream.indirect.scatter.add.f32 [tilespmem:s13], [sflag:$0xA], $0x1, s10, s12, $0xb8;
	[tilespmem:$0x1E1C0] =	vst v63  }
0xbb: {  	_ =	swait.ge [sflag:s17], $0x4000  }
0xbc: {  	[sflag:s17] =	ssyncset.done $0x0  }
0xbd: {  	s10 =	sadd.s32 $0x100, s24;
	[sflag:s17] =	ssyncadd.s32 $0xFFFFC000  }
0xbe: {  	[spmem:s2] =	stream.indirect.scatter.add.f32 [tilespmem:s4], [sflag:$0xB], $0x80, s10, s12, $0xb8;
	[tilespmem:$0x1E1C0] =	vst v63  }
0xbf: {  	_ = 	snop  }
0xc0: {  	[spmem:s3] =	stream.indirect.scatter.add.f32 [tilespmem:s13], [sflag:$0xB], $0x1, s10, s12, $0xb8;
	[tilespmem:$0x1E1C0] =	vst v63  }
0xc1: {  	_ =	swait.ge [sflag:s18], $0x4000  }
0xc2: {  	[sflag:s18] =	ssyncset.done $0x0  }
0xc3: {  	s10 =	sadd.s32 $0x180, s24;
	[sflag:s18] =	ssyncadd.s32 $0xFFFFC000  }
0xc4: {  	[spmem:s2] =	stream.indirect.scatter.add.f32 [tilespmem:s0], [sflag:$0xC], $0x80, s10, s12, $0xb8;
	[tilespmem:$0x1E1C0] =	vst v63  }
0xc5: {  	_ = 	snop  }
0xc6: {  	[spmem:s3] =	stream.indirect.scatter.add.f32 [tilespmem:s13], [sflag:$0xC], $0x1, s10, s12, $0xb8;
	[tilespmem:$0x1E1C0] =	vst v63  }
0xc7: {  	_ =	swait.ge [sflag:s19], $0x4000  }
0xc8: {  	[sflag:s19] =	ssyncset.done $0x0  }
0xc9: {  	s10 =	sadd.s32 $0x200, s24;
	[sflag:s19] =	ssyncadd.s32 $0xFFFFC000  }
0xca: {  	[spmem:s2] =	stream.indirect.scatter.add.f32 [tilespmem:s29], [sflag:$0xD], $0x80, s10, s12, $0xb8;
	[tilespmem:$0x1E1C0] =	vst v63  }
0xcb: {  	_ = 	snop  }
0xcc: {  	[spmem:s3] =	stream.indirect.scatter.add.f32 [tilespmem:s13], [sflag:$0xD], $0x1, s10, s12, $0xb8;
	[tilespmem:$0x1E1C0] =	vst v63  }
0xcd: {  	_ =	swait.ge [sflag:s20], $0x4000  }
0xce: {  	[sflag:s20] =	ssyncset.done $0x0  }
0xcf: {  	s24 =	sadd.s32 $0x280, s24;
	[sflag:s20] =	ssyncadd.s32 $0xFFFFC000  }
0xd0: {  	[spmem:s2] =	stream.indirect.scatter.add.f32 [tilespmem:s7], [sflag:$0xE], $0x80, s24, s12, $0xb8;
	[tilespmem:$0x1E1C0] =	vst v63  }
0xd1: {  	_ = 	snop  }
0xd2: {  	[spmem:s3] =	stream.indirect.scatter.add.f32 [tilespmem:s13], [sflag:$0xE], $0x1, s24, s12, $0xb8;
	[tilespmem:$0x1E1C0] =	vst v63  }
0xd3: {  	_ =	swait.ge [sflag:s21], $0x4000  }
0xd4: {  	[sflag:s21] =	ssyncset.done $0x0  }
0xd5: {  	[sflag:s21] =	ssyncadd.s32 $0xFFFFC000  }
0xd6: {  	_ =	swait.ge [sflag:s21], $0x80  }
0xd7: {  	[sflag:s21] =	ssyncset.done $0x0  }
0xd8: {  	[sflag:s21] =	ssyncadd.s32 $0xFFFFFF80  }
0xd9: {  	[tilespmem:s31], [sflag:$0x3] =	stream.linear.gather [hbm4b:s8+s5], $0x4000, $0x38;
	[tilespmem:$0x1E1C0] =	vst v63  }
0xda: {  	_ =	swait.ge [sflag:s22], $0x4000  }
0xdb: {  	[sflag:s22] =	ssyncset.done $0x0  }
0xdc: {  	[sflag:s22] =	ssyncadd.s32 $0xFFFFC000  }
0xdd: {  	_ =	swait.ge [sflag:s22], $0x80  }
0xde: {  	[sflag:s22] =	ssyncset.done $0x0  }
0xdf: {  	[sflag:s22] =	ssyncadd.s32 $0xFFFFFF80  }
0xe0: {  	[tilespmem:s1], [sflag:$0x4] =	stream.linear.gather [hbm4b:s9+s5], $0x4000, $0x38;
	[tilespmem:$0x1E1C0] =	vst v63  }
0xe1: {  	_ =	swait.ge [sflag:s26], $0x4000  }
0xe2: {  	[sflag:s26] =	ssyncset.done $0x0  }
0xe3: {  	[sflag:s26] =	ssyncadd.s32 $0xFFFFC000  }
0xe4: {  	_ =	swait.ge [sflag:s26], $0x80  }
0xe5: {  	p0 =	seq.s32 s25, $0x3000;
	[sflag:s26] =	ssyncset.done $0x0  }
0xe6: {  	s10 =	simm.s32 @p0 $0xC;
	[sflag:s26] =	ssyncadd.s32 $0xFFFFFF80  }
0xe7: {  	_ =	swait.ge @p0 [sflag:s10], $0x4000  }
0xe8: {  	[sflag:s10] =	ssyncset.done @p0 $0x0  }
0xe9: {  	[sflag:s10] =	ssyncadd.s32 @p0 $0xFFFFC000  }
0xea: {  	_ =	swait.ge @p0 [sflag:s10], $0x80  }
0xeb: {  	[sflag:s10] =	ssyncset.done @p0 $0x0  }
0xec: {  	s24 =	simm.s32 @!p0 $0x9000;
	[sflag:s10] =	ssyncadd.s32 @p0 $0xFFFFFF80;
	s10 =	simm.s32 @!p0 $0x0  }
0xed: {  	[tilespmem:s24], [sflag:$0x5] =	stream.linear.gather @!p0 [hbm4b:s6+s10], $0x4000, $0x38;
	[tilespmem:$0x1E1C0] =	vst v63  }
0xee: {  	s24 =	simm.s32 @!p0 $0xC  }
0xef: {  	_ =	swait.ge @!p0 [sflag:s24], $0x4000  }
0xf0: {  	[sflag:s24] =	ssyncset.done @!p0 $0x0  }
0xf1: {  	[sflag:s24] =	ssyncadd.s32 @!p0 $0xFFFFC000  }
0xf2: {  	_ =	swait.ge @!p0 [sflag:s24], $0x80  }
0xf3: {  	[sflag:s24] =	ssyncset.done @!p0 $0x0  }
0xf4: {  	[sflag:s24] =	ssyncadd.s32 @!p0 $0xFFFFFF80;
	s24 =	simm.s32 @!p0 $0xD000  }
0xf5: {  	[tilespmem:s24], [sflag:$0x6] =	stream.linear.gather @!p0 [hbm4b:s14+s10], $0x4000, $0x38;
	[tilespmem:$0x1E1C0] =	vst v63  }
0xf6: {  	_ =	swait.ge [sflag:s30], $0x4000  }
.Ltmp3:
0xf7: {  	[sflag:s30] =	ssyncset.done $0x0;
	(pc) =	sbr.rel @p0 .LBB2_6-.Ltmp3, $4  }
0xf8: {  	[sflag:s30] =	ssyncadd.s32 $0xFFFFC000  }
0xf9: {  	_ =	swait.ge [sflag:s30], $0x80  }
0xfa: {  	[sflag:s30] =	ssyncset.done $0x0  }
0xfb: {  	[sflag:s30] =	ssyncadd.s32 $0xFFFFFF80  }
0xfc: {  	[tilespmem:s29], [sflag:$0x7] =	stream.linear.gather [hbm4b:s15+s5], $0x4000, $0x38;
	[tilespmem:$0x1E1C0] =	vst v63  }
0xfd: {  	_ =	swait.ge [sflag:s23], $0x4000  }
0xfe: {  	[sflag:s23] =	ssyncset.done $0x0  }
0xff: {  	[sflag:s23] =	ssyncadd.s32 $0xFFFFC000  }
.Ltmp4:
0x100: {  	_ =	swait.ge [sflag:s23], $0x80;
	(pc) =	sbr.rel .LBB2_4-.Ltmp4, $4  }
0x101: {  	s25 =	sadd.s32 $0xC00, s25;
	s15 =	sadd.s32 $0x3000, s15;
	[sflag:s23] =	ssyncset.done $0x0  }
0x102: {  	s14 =	sadd.s32 $0x3000, s14;
	s6 =	sadd.s32 $0x3000, s6;
	[sflag:s23] =	ssyncadd.s32 $0xFFFFFF80  }
0x103: {  	[tilespmem:s7], [sflag:$0x8] =	stream.linear.gather [hbm4b:s28+s5], $0x4000, $0x38;
	[tilespmem:$0x1E1C0] =	vst v63  }
0x104: {  	s9 =	sadd.s32 $0x3000, s9;
	s8 =	sadd.s32 $0x3000, s8;
	s28 =	sadd.s32 $0x3000, s28  }
.LBB2_7:
0x105: {  	_ =	sfence.sel $0x180000  }
0x106: {  	[bflag:$0x0] =	sbarrier.arrive $0xFFFF  }
0x107: {  	_ =	strace $0x90000047  }
0x108: {  	s0 =	stileid.u32;
	[bflag:$0x2] =	sbarrier.arrive $0xFFFF  }
0x109: {  	p0 =	sne.s32 s0, $0x0;
	s0 =	rddreg [dreg:$0x6]  }
0x10a: {  	s0 =	sadd.s32 @!p0 $0x100000, s0  }
0x10b: {  	[sflag:s0] =	ssyncadd.tile.s32 @!p0 $0x1;
	_ =	shalt  }
.Lfunc_end2:
_tile_overlayer_lowered:
.L_overlay_start_2:
0x10c: {  	(tag) =	ssettag $0x2  }
0x10d: {  	s0 =	rddreg [dreg:$0x0];
	s2 =	stileid.u32  }
0x10e: {  	s1 =	rddreg [dreg:$0x1];
	p0 =	sne.s32 s2, $0x0  }
0x10f: {  	s3 =	rddreg [dreg:$0x2];
	[bflag:$0x3] =	sbarrier.arrive $0xFFFF;
	s2 =	simm.s32 @!p0 $0x1C0F  }
0x110: {  	[timem:s3], [sflag:s2] =	dma.local @!p0 [hbm:s0], s1  }
0x111: {  	s0 =	simm.s32 @!p0 $0xF  }
0x112: {  	_ =	swait.ge @!p0 [sflag:s0], s1  }
0x113: {  	s1 =	ssub.s32 @!p0 $0x0, s1;
	[sflag:s0] =	ssyncset.done @!p0 $0x0  }
0x114: {  	[sflag:s0] =	ssyncadd.s32 @!p0 s1  }
0x115: {  	[bflag:$0x3] =	sbarrier.arrive $0xFFFF  }
0x116: {  	_ =	shalt  }

</sc_bundles>
